<compile_context>
chip_gen: v7x
topology: tpu7x:2x2x1
jax: 0.10.2.dev20260603
libtpu: 0.0.44.dev20260713+nightly
codegen_flags: <defaults>
</compile_context>

<pallas_src>
import jax
import jax.numpy as jnp
from jax import lax
from jax.experimental import pallas as pl
from jax.experimental.pallas import tpu as pltpu
from jax.experimental.pallas import tpu_sc as plsc

_W = 128
_NBUF = 4
_NSPM = 2


def kernel(sequence, table):
    batch, hist = sequence.shape
    vocab, embed = table.shape
    n = batch * hist

    info = plsc.get_sparse_core_info()
    nc, ns = info.num_cores, info.num_subcores
    nw = nc * ns
    rows_per_worker = n // nw
    nwin = rows_per_worker // _W
    idx3 = sequence.reshape(nw, nwin, _W)

    mesh = plsc.VectorSubcoreMesh(core_axis_name="c", subcore_axis_name="s")

    @pl.kernel(
        out_type=jax.ShapeDtypeStruct((n, embed), table.dtype),
        mesh=mesh,
        scratch_types=[
            pltpu.VMEM((nwin, _W), jnp.int32),
            pltpu.VMEM((_NBUF, _W, embed), table.dtype),
            pltpu.VMEM_SHARED((ns, _NSPM, _W, embed), table.dtype),
        ]
        + [pltpu.SemaphoreType.DMA] * (_NBUF + _NSPM),
    )
    def _gather_kernel(table_hbm, idx_hbm, out_hbm, idx_v, bufs, spm_sh, *sems):
        gsems = sems[:_NBUF]
        wsems = sems[_NBUF:]
        sid = lax.axis_index("s")
        wid = sid * nc + lax.axis_index("c")
        base = wid * rows_per_worker
        spm = spm_sh.at[sid]

        pltpu.sync_copy(idx_hbm.at[wid], idx_v)

        for b in range(_NBUF):
            pltpu.make_async_copy(
                table_hbm.at[idx_v.at[b]], bufs.at[b], gsems[b]
            ).start()

        @pl.loop(0, nwin, step=_NBUF)
        def _(w0):
            for b in range(_NBUF):
                w = w0 + b
                s = b % _NSPM
                pltpu.make_async_copy(
                    table_hbm.at[idx_v.at[w]], bufs.at[b], gsems[b]
                ).wait()

                nxt = w + _NBUF
                dst = out_hbm.at[pl.ds(base + w * _W, _W)]

                @pl.when(w >= _NSPM)
                def _():
                    pltpu.make_async_copy(spm.at[s], dst, wsems[s]).wait()

                pltpu.sync_copy(bufs.at[b], spm.at[s])

                @pl.when(nxt < nwin)
                def _():
                    pltpu.make_async_copy(
                        table_hbm.at[idx_v.at[nxt]], bufs.at[b], gsems[b]
                    ).start()

                pltpu.make_async_copy(spm.at[s], dst, wsems[s]).start()

        for s in range(_NSPM):
            pltpu.make_async_copy(
                spm.at[s], out_hbm.at[pl.ds(base, _W)], wsems[s]
            ).wait()

    out = _gather_kernel(table, idx3)
    return out.reshape(batch, hist, embed)

# --- scband reference (transcript-rebuilt; emitter-appended) ---
"""Pipeline reference for scband-embedding-42760694399630 (READ-ONLY COPY).

The authoritative reference and input builder live on the scoring server;
editing this copy changes nothing except your own understanding.
"""

import jax, jax.numpy as jnp
import numpy as np

VOCAB = 100000
EMBED = 128
BATCH = 4096
HIST = 200

def setup_inputs(seed: int = 0) -> dict:
    key = jax.random.key(seed)
    k1, k2 = jax.random.split(key)
    sequence = jax.random.randint(k1, (BATCH, HIST), 0, VOCAB, dtype=jnp.int64 if jax.config.read('jax_enable_x64') else jnp.int32)
    table = jax.random.normal(k2, (VOCAB, EMBED), dtype=jnp.float32) * 0.02
    return {"sequence": sequence, "table": table}

def reference(sequence, table):
    # nn.Embedding forward: row gather from the table
    embeddings = jnp.take(table, sequence, axis=0)
    return embeddings

if __name__ == "__main__":
    import jax
    _d = setup_inputs()
    print(jax.jit(kernel)(*tuple(_d.values())))

</pallas_src>

<mosaic_0001>
#map = affine_map<(d0, d1) -> (0, 0)>
#map1 = affine_map<(d0, d1) -> (0, 0, 0)>
module attributes {stable_mosaic.version = 14 : i64} {
  func.func @_gather_kernel(%arg0: i32, %arg1: i32, %arg2: memref<100000x128xf32, #tpu.memory_space<hbm>>, %arg3: memref<32x200x128xi32, #tpu.memory_space<hbm>>, %arg4: memref<819200x128xf32, #tpu.memory_space<hbm>>, %arg5: memref<200x128xi32, #tpu.memory_space<vmem>>, %arg6: memref<4x128x128xf32, #tpu.memory_space<vmem>>, %arg7: memref<16x2x128x128xf32, #tpu.memory_space<vmem_shared>>, %arg8: memref<!tpu.dma_semaphore, #tpu.memory_space<semaphore_mem>>, %arg9: memref<!tpu.dma_semaphore, #tpu.memory_space<semaphore_mem>>, %arg10: memref<!tpu.dma_semaphore, #tpu.memory_space<semaphore_mem>>, %arg11: memref<!tpu.dma_semaphore, #tpu.memory_space<semaphore_mem>>, %arg12: memref<!tpu.dma_semaphore, #tpu.memory_space<semaphore_mem>>, %arg13: memref<!tpu.dma_semaphore, #tpu.memory_space<semaphore_mem>>) attributes {dimension_semantics = [#tpu.dimension_semantics<core_parallel>, #tpu.dimension_semantics<subcore_parallel>], iteration_bounds = array<i64: 2, 16>, scalar_prefetch = 0 : i64, scratch_operands = 9 : i64, tpu.core_type = #tpu.core_type<sc_vector_subcore>, window_params = [{transform_indices = #map}, {transform_indices = #map1}, {transform_indices = #map}]} {
    %mul3A = arith.constant 2 : i32
    %mul3A_0 = arith.muli %arg1, %mul3A : i32
    %add3A = arith.addi %mul3A_0, %arg0 : i32
    %mul3A_1 = arith.constant 25600 : i32
    %mul3A_2 = arith.muli %add3A, %mul3A_1 : i32
    "tpu.region"() ({
      %run_scoped3A = tpu.sem_alloc : memref<!tpu.dma_semaphore, #tpu.memory_space<semaphore_mem>>
      %dma_start3A_77 = arith.constant 0 : i32
      %dma_start3A_78 = arith.constant 0 : i32
      %dma_start3A_79 = tpu.memref_slice %arg3[%add3A, %dma_start3A_77, %dma_start3A_78] : memref<32x200x128xi32, #tpu.memory_space<hbm>> -> memref<1x200x128xi32, #tpu.memory_space<hbm>>
      %dma_start3A_80 = tpu.memref_squeeze %dma_start3A_79 : memref<1x200x128xi32, #tpu.memory_space<hbm>> -> memref<200x128xi32, #tpu.memory_space<hbm>>
      %dma_start3A_81 = arith.constant 0 : i32
      %dma_start3A_82 = arith.constant 0 : i32
      %dma_start3A_83 = tpu.memref_slice %arg3[%add3A, %dma_start3A_81, %dma_start3A_82] : memref<32x200x128xi32, #tpu.memory_space<hbm>> -> memref<1x200x128xi32, #tpu.memory_space<hbm>>
      %dma_start3A_84 = tpu.memref_squeeze %dma_start3A_83 : memref<1x200x128xi32, #tpu.memory_space<hbm>> -> memref<200x128xi32, #tpu.memory_space<hbm>>
      tpu.enqueue_dma source(%dma_start3A_84 : memref<200x128xi32, #tpu.memory_space<hbm>>) target(%arg5 : memref<200x128xi32, #tpu.memory_space<vmem>>) target_semaphore(%run_scoped3A : memref<!tpu.dma_semaphore, #tpu.memory_space<semaphore_mem>>)
      %dma_wait3A_85 = arith.constant 0 : i32
      %dma_wait3A_86 = arith.constant 0 : i32
      %dma_wait3A_87 = tpu.memref_slice %arg3[%add3A, %dma_wait3A_85, %dma_wait3A_86] : memref<32x200x128xi32, #tpu.memory_space<hbm>> -> memref<1x200x128xi32, #tpu.memory_space<hbm>>
      %dma_wait3A_88 = tpu.memref_squeeze %dma_wait3A_87 : memref<1x200x128xi32, #tpu.memory_space<hbm>> -> memref<200x128xi32, #tpu.memory_space<hbm>>
      %dma_wait3A_89 = arith.constant 0 : i32
      %dma_wait3A_90 = arith.constant 0 : i32
      %dma_wait3A_91 = tpu.memref_slice %arg3[%add3A, %dma_wait3A_89, %dma_wait3A_90] : memref<32x200x128xi32, #tpu.memory_space<hbm>> -> memref<1x200x128xi32, #tpu.memory_space<hbm>>
      %dma_wait3A_92 = tpu.memref_squeeze %dma_wait3A_91 : memref<1x200x128xi32, #tpu.memory_space<hbm>> -> memref<200x128xi32, #tpu.memory_space<hbm>>
      tpu.wait_dma2 semaphore(%run_scoped3A : memref<!tpu.dma_semaphore, #tpu.memory_space<semaphore_mem>>) src(%dma_wait3A_92 : memref<200x128xi32, #tpu.memory_space<hbm>>) dst(%arg5 : memref<200x128xi32, #tpu.memory_space<vmem>>)
      tpu.yield
    }) : () -> ()
    %dma_start3A = arith.constant 0 : i32
    %dma_start3A_3 = arith.constant 0 : i32
    %dma_start3A_4 = arith.constant 0 : i32
    %dma_start3A_5 = arith.constant 0 : i32
    %dma_start3A_6 = tpu.memref_slice %arg6[%dma_start3A_3, %dma_start3A_4, %dma_start3A_5] : memref<4x128x128xf32, #tpu.memory_space<vmem>> -> memref<1x128x128xf32, #tpu.memory_space<vmem>>
    %dma_start3A_7 = tpu.memref_squeeze %dma_start3A_6 : memref<1x128x128xf32, #tpu.memory_space<vmem>> -> memref<128x128xf32, #tpu.memory_space<vmem>>
    %dma_start3A_8 = arith.constant 0 : i32
    %dma_start3A_9 = tpu.memref_slice %arg5[%dma_start3A, %dma_start3A_8] : memref<200x128xi32, #tpu.memory_space<vmem>> -> memref<1x128xi32, #tpu.memory_space<vmem>>
    %dma_start3A_10 = tpu.memref_squeeze %dma_start3A_9 : memref<1x128xi32, #tpu.memory_space<vmem>> -> memref<128xi32, #tpu.memory_space<vmem>>
    %dma_start3A_11 = arith.constant 0 : i32
    %dma_start3A_12 = arith.constant 0 : i32
    %dma_start3A_13 = tpu.memref_slice %arg2[%dma_start3A_11, %dma_start3A_12] : memref<100000x128xf32, #tpu.memory_space<hbm>> -> memref<100000x128xf32, #tpu.memory_space<hbm>>
    tpu.enqueue_indirect_dma source(%dma_start3A_13 : memref<100000x128xf32, #tpu.memory_space<hbm>>) target(%dma_start3A_7 : memref<128x128xf32, #tpu.memory_space<vmem>>) offsets(%dma_start3A_10 : memref<128xi32, #tpu.memory_space<vmem>>) semaphore(%arg8 : memref<!tpu.dma_semaphore, #tpu.memory_space<semaphore_mem>>)
    %dma_start3A_14 = arith.constant 1 : i32
    %dma_start3A_15 = arith.constant 1 : i32
    %dma_start3A_16 = arith.constant 0 : i32
    %dma_start3A_17 = arith.constant 0 : i32
    %dma_start3A_18 = tpu.memref_slice %arg6[%dma_start3A_15, %dma_start3A_16, %dma_start3A_17] : memref<4x128x128xf32, #tpu.memory_space<vmem>> -> memref<1x128x128xf32, #tpu.memory_space<vmem>>
    %dma_start3A_19 = tpu.memref_squeeze %dma_start3A_18 : memref<1x128x128xf32, #tpu.memory_space<vmem>> -> memref<128x128xf32, #tpu.memory_space<vmem>>
    %dma_start3A_20 = arith.constant 0 : i32
    %dma_start3A_21 = tpu.memref_slice %arg5[%dma_start3A_14, %dma_start3A_20] : memref<200x128xi32, #tpu.memory_space<vmem>> -> memref<1x128xi32, #tpu.memory_space<vmem>>
    %dma_start3A_22 = tpu.memref_squeeze %dma_start3A_21 : memref<1x128xi32, #tpu.memory_space<vmem>> -> memref<128xi32, #tpu.memory_space<vmem>>
    %dma_start3A_23 = arith.constant 0 : i32
    %dma_start3A_24 = arith.constant 0 : i32
    %dma_start3A_25 = tpu.memref_slice %arg2[%dma_start3A_23, %dma_start3A_24] : memref<100000x128xf32, #tpu.memory_space<hbm>> -> memref<100000x128xf32, #tpu.memory_space<hbm>>
    tpu.enqueue_indirect_dma source(%dma_start3A_25 : memref<100000x128xf32, #tpu.memory_space<hbm>>) target(%dma_start3A_19 : memref<128x128xf32, #tpu.memory_space<vmem>>) offsets(%dma_start3A_22 : memref<128xi32, #tpu.memory_space<vmem>>) semaphore(%arg9 : memref<!tpu.dma_semaphore, #tpu.memory_space<semaphore_mem>>)
    %dma_start3A_26 = arith.constant 2 : i32
    %dma_start3A_27 = arith.constant 2 : i32
    %dma_start3A_28 = arith.constant 0 : i32
    %dma_start3A_29 = arith.constant 0 : i32
    %dma_start3A_30 = tpu.memref_slice %arg6[%dma_start3A_27, %dma_start3A_28, %dma_start3A_29] : memref<4x128x128xf32, #tpu.memory_space<vmem>> -> memref<1x128x128xf32, #tpu.memory_space<vmem>>
    %dma_start3A_31 = tpu.memref_squeeze %dma_start3A_30 : memref<1x128x128xf32, #tpu.memory_space<vmem>> -> memref<128x128xf32, #tpu.memory_space<vmem>>
    %dma_start3A_32 = arith.constant 0 : i32
    %dma_start3A_33 = tpu.memref_slice %arg5[%dma_start3A_26, %dma_start3A_32] : memref<200x128xi32, #tpu.memory_space<vmem>> -> memref<1x128xi32, #tpu.memory_space<vmem>>
    %dma_start3A_34 = tpu.memref_squeeze %dma_start3A_33 : memref<1x128xi32, #tpu.memory_space<vmem>> -> memref<128xi32, #tpu.memory_space<vmem>>
    %dma_start3A_35 = arith.constant 0 : i32
    %dma_start3A_36 = arith.constant 0 : i32
    %dma_start3A_37 = tpu.memref_slice %arg2[%dma_start3A_35, %dma_start3A_36] : memref<100000x128xf32, #tpu.memory_space<hbm>> -> memref<100000x128xf32, #tpu.memory_space<hbm>>
    tpu.enqueue_indirect_dma source(%dma_start3A_37 : memref<100000x128xf32, #tpu.memory_space<hbm>>) target(%dma_start3A_31 : memref<128x128xf32, #tpu.memory_space<vmem>>) offsets(%dma_start3A_34 : memref<128xi32, #tpu.memory_space<vmem>>) semaphore(%arg10 : memref<!tpu.dma_semaphore, #tpu.memory_space<semaphore_mem>>)
    %dma_start3A_38 = arith.constant 3 : i32
    %dma_start3A_39 = arith.constant 3 : i32
    %dma_start3A_40 = arith.constant 0 : i32
    %dma_start3A_41 = arith.constant 0 : i32
    %dma_start3A_42 = tpu.memref_slice %arg6[%dma_start3A_39, %dma_start3A_40, %dma_start3A_41] : memref<4x128x128xf32, #tpu.memory_space<vmem>> -> memref<1x128x128xf32, #tpu.memory_space<vmem>>
    %dma_start3A_43 = tpu.memref_squeeze %dma_start3A_42 : memref<1x128x128xf32, #tpu.memory_space<vmem>> -> memref<128x128xf32, #tpu.memory_space<vmem>>
    %dma_start3A_44 = arith.constant 0 : i32
    %dma_start3A_45 = tpu.memref_slice %arg5[%dma_start3A_38, %dma_start3A_44] : memref<200x128xi32, #tpu.memory_space<vmem>> -> memref<1x128xi32, #tpu.memory_space<vmem>>
    %dma_start3A_46 = tpu.memref_squeeze %dma_start3A_45 : memref<1x128xi32, #tpu.memory_space<vmem>> -> memref<128xi32, #tpu.memory_space<vmem>>
    %dma_start3A_47 = arith.constant 0 : i32
    %dma_start3A_48 = arith.constant 0 : i32
    %dma_start3A_49 = tpu.memref_slice %arg2[%dma_start3A_47, %dma_start3A_48] : memref<100000x128xf32, #tpu.memory_space<hbm>> -> memref<100000x128xf32, #tpu.memory_space<hbm>>
    tpu.enqueue_indirect_dma source(%dma_start3A_49 : memref<100000x128xf32, #tpu.memory_space<hbm>>) target(%dma_start3A_43 : memref<128x128xf32, #tpu.memory_space<vmem>>) offsets(%dma_start3A_46 : memref<128xi32, #tpu.memory_space<vmem>>) semaphore(%arg11 : memref<!tpu.dma_semaphore, #tpu.memory_space<semaphore_mem>>)
    %scan3A = arith.constant 0 : i32
    %scan3A_50 = arith.constant 50 : i32
    %scan3A_51 = arith.addi %scan3A, %scan3A_50 : i32
    %scan3A_52 = arith.constant 1 : i32
    scf.for %scan3A_77 = %scan3A to %scan3A_51 step %scan3A_52  : i32 {
      %mul3A_78 = arith.constant 4 : i32
      %mul3A_79 = arith.muli %scan3A_77, %mul3A_78 : i32
      %add3A_80 = arith.constant 0 : i32
      %add3A_81 = arith.addi %add3A_80, %mul3A_79 : i32
      %add3A_82 = arith.constant 0 : i32
      %add3A_83 = arith.addi %add3A_81, %add3A_82 : i32
      %dma_wait3A_84 = arith.constant 0 : i32
      %dma_wait3A_85 = arith.constant 0 : i32
      %dma_wait3A_86 = arith.constant 0 : i32
      %dma_wait3A_87 = tpu.memref_slice %arg6[%dma_wait3A_84, %dma_wait3A_85, %dma_wait3A_86] : memref<4x128x128xf32, #tpu.memory_space<vmem>> -> memref<1x128x128xf32, #tpu.memory_space<vmem>>
      %dma_wait3A_88 = tpu.memref_squeeze %dma_wait3A_87 : memref<1x128x128xf32, #tpu.memory_space<vmem>> -> memref<128x128xf32, #tpu.memory_space<vmem>>
      %dma_wait3A_89 = arith.constant 0 : i32
      %dma_wait3A_90 = tpu.memref_slice %arg5[%add3A_83, %dma_wait3A_89] : memref<200x128xi32, #tpu.memory_space<vmem>> -> memref<1x128xi32, #tpu.memory_space<vmem>>
      %dma_wait3A_91 = tpu.memref_squeeze %dma_wait3A_90 : memref<1x128xi32, #tpu.memory_space<vmem>> -> memref<128xi32, #tpu.memory_space<vmem>>
      %dma_wait3A_92 = arith.constant 0 : i32
      %dma_wait3A_93 = arith.constant 0 : i32
      %dma_wait3A_94 = tpu.memref_slice %arg2[%dma_wait3A_92, %dma_wait3A_93] : memref<100000x128xf32, #tpu.memory_space<hbm>> -> memref<100000x128xf32, #tpu.memory_space<hbm>>
      tpu.wait_indirect_dma semaphore(%arg8 : memref<!tpu.dma_semaphore, #tpu.memory_space<semaphore_mem>>) src(%dma_wait3A_94 : memref<100000x128xf32, #tpu.memory_space<hbm>>) dst(%dma_wait3A_88 : memref<128x128xf32, #tpu.memory_space<vmem>>)
      %add3A_95 = arith.constant 4 : i32
      %add3A_96 = arith.addi %add3A_83, %add3A_95 : i32
      %mul3A_97 = arith.constant 128 : i32
      %mul3A_98 = arith.muli %add3A_83, %mul3A_97 : i32
      %add3A_99 = arith.addi %mul3A_2, %mul3A_98 : i32
      %ge3A = arith.constant 2 : i32
      %ge3A_100 = arith.cmpi sge, %add3A_83, %ge3A : i32
      %convert_element_type3A = arith.extui %ge3A_100 : i1 to i32
      %cond3A = arith.constant 0 : i32
      %cond3A_101 = arith.cmpi ne, %convert_element_type3A, %cond3A : i32
      scf.if %cond3A_101 {
        %dma_wait3A_245 = arith.constant 0 : i32
        %dma_wait3A_246 = arith.constant 0 : i32
        %dma_wait3A_247 = tpu.memref_slice %arg4[%add3A_99, %dma_wait3A_246] : memref<819200x128xf32, #tpu.memory_space<hbm>> -> memref<128x128xf32, #tpu.memory_space<hbm>>
        %dma_wait3A_248 = arith.constant 0 : i32
        %dma_wait3A_249 = arith.constant 0 : i32
        %dma_wait3A_250 = arith.constant 0 : i32
        %dma_wait3A_251 = tpu.memref_slice %arg7[%arg1, %dma_wait3A_248, %dma_wait3A_249, %dma_wait3A_250] : memref<16x2x128x128xf32, #tpu.memory_space<vmem_shared>> -> memref<1x2x128x128xf32, #tpu.memory_space<vmem_shared>>
        %dma_wait3A_252 = tpu.memref_squeeze %dma_wait3A_251 : memref<1x2x128x128xf32, #tpu.memory_space<vmem_shared>> -> memref<2x128x128xf32, #tpu.memory_space<vmem_shared>>
        %dma_wait3A_253 = arith.constant 0 : i32
        %dma_wait3A_254 = arith.constant 0 : i32
        %dma_wait3A_255 = tpu.memref_slice %dma_wait3A_252[%dma_wait3A_245, %dma_wait3A_253, %dma_wait3A_254] : memref<2x128x128xf32, #tpu.memory_space<vmem_shared>> -> memref<1x128x128xf32, #tpu.memory_space<vmem_shared>>
        %dma_wait3A_256 = tpu.memref_squeeze %dma_wait3A_255 : memref<1x128x128xf32, #tpu.memory_space<vmem_shared>> -> memref<128x128xf32, #tpu.memory_space<vmem_shared>>
        tpu.wait_dma2 semaphore(%arg12 : memref<!tpu.dma_semaphore, #tpu.memory_space<semaphore_mem>>) src(%dma_wait3A_256 : memref<128x128xf32, #tpu.memory_space<vmem_shared>>) dst(%dma_wait3A_247 : memref<128x128xf32, #tpu.memory_space<hbm>>)
      } else {
      }
      %run_scoped3A = arith.constant 0 : i32
      %run_scoped3A_102 = arith.constant 0 : i32
      "tpu.region"() ({
        %run_scoped3A_245 = tpu.sem_alloc : memref<!tpu.dma_semaphore, #tpu.memory_space<semaphore_mem>>
        %dma_start3A_246 = arith.constant 0 : i32
        %dma_start3A_247 = arith.constant 0 : i32
        %dma_start3A_248 = tpu.memref_slice %arg6[%run_scoped3A, %dma_start3A_246, %dma_start3A_247] : memref<4x128x128xf32, #tpu.memory_space<vmem>> -> memref<1x128x128xf32, #tpu.memory_space<vmem>>
        %dma_start3A_249 = tpu.memref_squeeze %dma_start3A_248 : memref<1x128x128xf32, #tpu.memory_space<vmem>> -> memref<128x128xf32, #tpu.memory_space<vmem>>
        %dma_start3A_250 = arith.constant 0 : i32
        %dma_start3A_251 = arith.constant 0 : i32
        %dma_start3A_252 = arith.constant 0 : i32
        %dma_start3A_253 = tpu.memref_slice %arg7[%arg1, %dma_start3A_250, %dma_start3A_251, %dma_start3A_252] : memref<16x2x128x128xf32, #tpu.memory_space<vmem_shared>> -> memref<1x2x128x128xf32, #tpu.memory_space<vmem_shared>>
        %dma_start3A_254 = tpu.memref_squeeze %dma_start3A_253 : memref<1x2x128x128xf32, #tpu.memory_space<vmem_shared>> -> memref<2x128x128xf32, #tpu.memory_space<vmem_shared>>
        %dma_start3A_255 = arith.constant 0 : i32
        %dma_start3A_256 = arith.constant 0 : i32
        %dma_start3A_257 = tpu.memref_slice %dma_start3A_254[%run_scoped3A_102, %dma_start3A_255, %dma_start3A_256] : memref<2x128x128xf32, #tpu.memory_space<vmem_shared>> -> memref<1x128x128xf32, #tpu.memory_space<vmem_shared>>
        %dma_start3A_258 = tpu.memref_squeeze %dma_start3A_257 : memref<1x128x128xf32, #tpu.memory_space<vmem_shared>> -> memref<128x128xf32, #tpu.memory_space<vmem_shared>>
        %dma_start3A_259 = arith.constant 0 : i32
        %dma_start3A_260 = arith.constant 0 : i32
        %dma_start3A_261 = arith.constant 0 : i32
        %dma_start3A_262 = tpu.memref_slice %arg7[%arg1, %dma_start3A_259, %dma_start3A_260, %dma_start3A_261] : memref<16x2x128x128xf32, #tpu.memory_space<vmem_shared>> -> memref<1x2x128x128xf32, #tpu.memory_space<vmem_shared>>
        %dma_start3A_263 = tpu.memref_squeeze %dma_start3A_262 : memref<1x2x128x128xf32, #tpu.memory_space<vmem_shared>> -> memref<2x128x128xf32, #tpu.memory_space<vmem_shared>>
        %dma_start3A_264 = arith.constant 0 : i32
        %dma_start3A_265 = arith.constant 0 : i32
        %dma_start3A_266 = tpu.memref_slice %dma_start3A_263[%run_scoped3A_102, %dma_start3A_264, %dma_start3A_265] : memref<2x128x128xf32, #tpu.memory_space<vmem_shared>> -> memref<1x128x128xf32, #tpu.memory_space<vmem_shared>>
        %dma_start3A_267 = tpu.memref_squeeze %dma_start3A_266 : memref<1x128x128xf32, #tpu.memory_space<vmem_shared>> -> memref<128x128xf32, #tpu.memory_space<vmem_shared>>
        %dma_start3A_268 = arith.constant 0 : i32
        %dma_start3A_269 = arith.constant 0 : i32
        %dma_start3A_270 = tpu.memref_slice %arg6[%run_scoped3A, %dma_start3A_268, %dma_start3A_269] : memref<4x128x128xf32, #tpu.memory_space<vmem>> -> memref<1x128x128xf32, #tpu.memory_space<vmem>>
        %dma_start3A_271 = tpu.memref_squeeze %dma_start3A_270 : memref<1x128x128xf32, #tpu.memory_space<vmem>> -> memref<128x128xf32, #tpu.memory_space<vmem>>
        tpu.enqueue_dma source(%dma_start3A_271 : memref<128x128xf32, #tpu.memory_space<vmem>>) target(%dma_start3A_267 : memref<128x128xf32, #tpu.memory_space<vmem_shared>>) target_semaphore(%run_scoped3A_245 : memref<!tpu.dma_semaphore, #tpu.memory_space<semaphore_mem>>)
        %dma_wait3A_272 = arith.constant 0 : i32
        %dma_wait3A_273 = arith.constant 0 : i32
        %dma_wait3A_274 = tpu.memref_slice %arg6[%run_scoped3A, %dma_wait3A_272, %dma_wait3A_273] : memref<4x128x128xf32, #tpu.memory_space<vmem>> -> memref<1x128x128xf32, #tpu.memory_space<vmem>>
        %dma_wait3A_275 = tpu.memref_squeeze %dma_wait3A_274 : memref<1x128x128xf32, #tpu.memory_space<vmem>> -> memref<128x128xf32, #tpu.memory_space<vmem>>
        %dma_wait3A_276 = arith.constant 0 : i32
        %dma_wait3A_277 = arith.constant 0 : i32
        %dma_wait3A_278 = arith.constant 0 : i32
        %dma_wait3A_279 = tpu.memref_slice %arg7[%arg1, %dma_wait3A_276, %dma_wait3A_277, %dma_wait3A_278] : memref<16x2x128x128xf32, #tpu.memory_space<vmem_shared>> -> memref<1x2x128x128xf32, #tpu.memory_space<vmem_shared>>
        %dma_wait3A_280 = tpu.memref_squeeze %dma_wait3A_279 : memref<1x2x128x128xf32, #tpu.memory_space<vmem_shared>> -> memref<2x128x128xf32, #tpu.memory_space<vmem_shared>>
        %dma_wait3A_281 = arith.constant 0 : i32
        %dma_wait3A_282 = arith.constant 0 : i32
        %dma_wait3A_283 = tpu.memref_slice %dma_wait3A_280[%run_scoped3A_102, %dma_wait3A_281, %dma_wait3A_282] : memref<2x128x128xf32, #tpu.memory_space<vmem_shared>> -> memref<1x128x128xf32, #tpu.memory_space<vmem_shared>>
        %dma_wait3A_284 = tpu.memref_squeeze %dma_wait3A_283 : memref<1x128x128xf32, #tpu.memory_space<vmem_shared>> -> memref<128x128xf32, #tpu.memory_space<vmem_shared>>
        %dma_wait3A_285 = arith.constant 0 : i32
        %dma_wait3A_286 = arith.constant 0 : i32
        %dma_wait3A_287 = arith.constant 0 : i32
        %dma_wait3A_288 = tpu.memref_slice %arg7[%arg1, %dma_wait3A_285, %dma_wait3A_286, %dma_wait3A_287] : memref<16x2x128x128xf32, #tpu.memory_space<vmem_shared>> -> memref<1x2x128x128xf32, #tpu.memory_space<vmem_shared>>
        %dma_wait3A_289 = tpu.memref_squeeze %dma_wait3A_288 : memref<1x2x128x128xf32, #tpu.memory_space<vmem_shared>> -> memref<2x128x128xf32, #tpu.memory_space<vmem_shared>>
        %dma_wait3A_290 = arith.constant 0 : i32
        %dma_wait3A_291 = arith.constant 0 : i32
        %dma_wait3A_292 = tpu.memref_slice %dma_wait3A_289[%run_scoped3A_102, %dma_wait3A_290, %dma_wait3A_291] : memref<2x128x128xf32, #tpu.memory_space<vmem_shared>> -> memref<1x128x128xf32, #tpu.memory_space<vmem_shared>>
        %dma_wait3A_293 = tpu.memref_squeeze %dma_wait3A_292 : memref<1x128x128xf32, #tpu.memory_space<vmem_shared>> -> memref<128x128xf32, #tpu.memory_space<vmem_shared>>
        %dma_wait3A_294 = arith.constant 0 : i32
        %dma_wait3A_295 = arith.constant 0 : i32
        %dma_wait3A_296 = tpu.memref_slice %arg6[%run_scoped3A, %dma_wait3A_294, %dma_wait3A_295] : memref<4x128x128xf32, #tpu.memory_space<vmem>> -> memref<1x128x128xf32, #tpu.memory_space<vmem>>
        %dma_wait3A_297 = tpu.memref_squeeze %dma_wait3A_296 : memref<1x128x128xf32, #tpu.memory_space<vmem>> -> memref<128x128xf32, #tpu.memory_space<vmem>>
        tpu.wait_dma2 semaphore(%run_scoped3A_245 : memref<!tpu.dma_semaphore, #tpu.memory_space<semaphore_mem>>) src(%dma_wait3A_297 : memref<128x128xf32, #tpu.memory_space<vmem>>) dst(%dma_wait3A_293 : memref<128x128xf32, #tpu.memory_space<vmem_shared>>)
        tpu.yield
      }) : () -> ()
      %lt3A = arith.constant 200 : i32
      %lt3A_103 = arith.cmpi slt, %add3A_96, %lt3A : i32
      %convert_element_type3A_104 = arith.extui %lt3A_103 : i1 to i32
      %cond3A_105 = arith.constant 0 : i32
      %cond3A_106 = arith.cmpi ne, %convert_element_type3A_104, %cond3A_105 : i32
      scf.if %cond3A_106 {
        %dma_start3A_245 = arith.constant 0 : i32
        %dma_start3A_246 = arith.constant 0 : i32
        %dma_start3A_247 = arith.constant 0 : i32
        %dma_start3A_248 = tpu.memref_slice %arg6[%dma_start3A_245, %dma_start3A_246, %dma_start3A_247] : memref<4x128x128xf32, #tpu.memory_space<vmem>> -> memref<1x128x128xf32, #tpu.memory_space<vmem>>
        %dma_start3A_249 = tpu.memref_squeeze %dma_start3A_248 : memref<1x128x128xf32, #tpu.memory_space<vmem>> -> memref<128x128xf32, #tpu.memory_space<vmem>>
        %dma_start3A_250 = arith.constant 0 : i32
        %dma_start3A_251 = tpu.memref_slice %arg5[%add3A_96, %dma_start3A_250] : memref<200x128xi32, #tpu.memory_space<vmem>> -> memref<1x128xi32, #tpu.memory_space<vmem>>
        %dma_start3A_252 = tpu.memref_squeeze %dma_start3A_251 : memref<1x128xi32, #tpu.memory_space<vmem>> -> memref<128xi32, #tpu.memory_space<vmem>>
        %dma_start3A_253 = arith.constant 0 : i32
        %dma_start3A_254 = arith.constant 0 : i32
        %dma_start3A_255 = tpu.memref_slice %arg2[%dma_start3A_253, %dma_start3A_254] : memref<100000x128xf32, #tpu.memory_space<hbm>> -> memref<100000x128xf32, #tpu.memory_space<hbm>>
        tpu.enqueue_indirect_dma source(%dma_start3A_255 : memref<100000x128xf32, #tpu.memory_space<hbm>>) target(%dma_start3A_249 : memref<128x128xf32, #tpu.memory_space<vmem>>) offsets(%dma_start3A_252 : memref<128xi32, #tpu.memory_space<vmem>>) semaphore(%arg8 : memref<!tpu.dma_semaphore, #tpu.memory_space<semaphore_mem>>)
      } else {
      }
      %dma_start3A_107 = arith.constant 0 : i32
      %dma_start3A_108 = arith.constant 0 : i32
      %dma_start3A_109 = tpu.memref_slice %arg4[%add3A_99, %dma_start3A_108] : memref<819200x128xf32, #tpu.memory_space<hbm>> -> memref<128x128xf32, #tpu.memory_space<hbm>>
      %dma_start3A_110 = arith.constant 0 : i32
      %dma_start3A_111 = arith.constant 0 : i32
      %dma_start3A_112 = arith.constant 0 : i32
      %dma_start3A_113 = tpu.memref_slice %arg7[%arg1, %dma_start3A_110, %dma_start3A_111, %dma_start3A_112] : memref<16x2x128x128xf32, #tpu.memory_space<vmem_shared>> -> memref<1x2x128x128xf32, #tpu.memory_space<vmem_shared>>
      %dma_start3A_114 = tpu.memref_squeeze %dma_start3A_113 : memref<1x2x128x128xf32, #tpu.memory_space<vmem_shared>> -> memref<2x128x128xf32, #tpu.memory_space<vmem_shared>>
      %dma_start3A_115 = arith.constant 0 : i32
      %dma_start3A_116 = arith.constant 0 : i32
      %dma_start3A_117 = tpu.memref_slice %dma_start3A_114[%dma_start3A_107, %dma_start3A_115, %dma_start3A_116] : memref<2x128x128xf32, #tpu.memory_space<vmem_shared>> -> memref<1x128x128xf32, #tpu.memory_space<vmem_shared>>
      %dma_start3A_118 = tpu.memref_squeeze %dma_start3A_117 : memref<1x128x128xf32, #tpu.memory_space<vmem_shared>> -> memref<128x128xf32, #tpu.memory_space<vmem_shared>>
      tpu.enqueue_dma source(%dma_start3A_118 : memref<128x128xf32, #tpu.memory_space<vmem_shared>>) target(%dma_start3A_109 : memref<128x128xf32, #tpu.memory_space<hbm>>) target_semaphore(%arg12 : memref<!tpu.dma_semaphore, #tpu.memory_space<semaphore_mem>>)
      %add3A_119 = arith.constant 1 : i32
      %add3A_120 = arith.addi %add3A_81, %add3A_119 : i32
      %dma_wait3A_121 = arith.constant 1 : i32
      %dma_wait3A_122 = arith.constant 0 : i32
      %dma_wait3A_123 = arith.constant 0 : i32
      %dma_wait3A_124 = tpu.memref_slice %arg6[%dma_wait3A_121, %dma_wait3A_122, %dma_wait3A_123] : memref<4x128x128xf32, #tpu.memory_space<vmem>> -> memref<1x128x128xf32, #tpu.memory_space<vmem>>
      %dma_wait3A_125 = tpu.memref_squeeze %dma_wait3A_124 : memref<1x128x128xf32, #tpu.memory_space<vmem>> -> memref<128x128xf32, #tpu.memory_space<vmem>>
      %dma_wait3A_126 = arith.constant 0 : i32
      %dma_wait3A_127 = tpu.memref_slice %arg5[%add3A_120, %dma_wait3A_126] : memref<200x128xi32, #tpu.memory_space<vmem>> -> memref<1x128xi32, #tpu.memory_space<vmem>>
      %dma_wait3A_128 = tpu.memref_squeeze %dma_wait3A_127 : memref<1x128xi32, #tpu.memory_space<vmem>> -> memref<128xi32, #tpu.memory_space<vmem>>
      %dma_wait3A_129 = arith.constant 0 : i32
      %dma_wait3A_130 = arith.constant 0 : i32
      %dma_wait3A_131 = tpu.memref_slice %arg2[%dma_wait3A_129, %dma_wait3A_130] : memref<100000x128xf32, #tpu.memory_space<hbm>> -> memref<100000x128xf32, #tpu.memory_space<hbm>>
      tpu.wait_indirect_dma semaphore(%arg9 : memref<!tpu.dma_semaphore, #tpu.memory_space<semaphore_mem>>) src(%dma_wait3A_131 : memref<100000x128xf32, #tpu.memory_space<hbm>>) dst(%dma_wait3A_125 : memref<128x128xf32, #tpu.memory_space<vmem>>)
      %add3A_132 = arith.constant 4 : i32
      %add3A_133 = arith.addi %add3A_120, %add3A_132 : i32
      %mul3A_134 = arith.constant 128 : i32
      %mul3A_135 = arith.muli %add3A_120, %mul3A_134 : i32
      %add3A_136 = arith.addi %mul3A_2, %mul3A_135 : i32
      %ge3A_137 = arith.constant 2 : i32
      %ge3A_138 = arith.cmpi sge, %add3A_120, %ge3A_137 : i32
      %convert_element_type3A_139 = arith.extui %ge3A_138 : i1 to i32
      %cond3A_140 = arith.constant 0 : i32
      %cond3A_141 = arith.cmpi ne, %convert_element_type3A_139, %cond3A_140 : i32
      scf.if %cond3A_141 {
        %dma_wait3A_245 = arith.constant 1 : i32
        %dma_wait3A_246 = arith.constant 0 : i32
        %dma_wait3A_247 = tpu.memref_slice %arg4[%add3A_136, %dma_wait3A_246] : memref<819200x128xf32, #tpu.memory_space<hbm>> -> memref<128x128xf32, #tpu.memory_space<hbm>>
        %dma_wait3A_248 = arith.constant 0 : i32
        %dma_wait3A_249 = arith.constant 0 : i32
        %dma_wait3A_250 = arith.constant 0 : i32
        %dma_wait3A_251 = tpu.memref_slice %arg7[%arg1, %dma_wait3A_248, %dma_wait3A_249, %dma_wait3A_250] : memref<16x2x128x128xf32, #tpu.memory_space<vmem_shared>> -> memref<1x2x128x128xf32, #tpu.memory_space<vmem_shared>>
        %dma_wait3A_252 = tpu.memref_squeeze %dma_wait3A_251 : memref<1x2x128x128xf32, #tpu.memory_space<vmem_shared>> -> memref<2x128x128xf32, #tpu.memory_space<vmem_shared>>
        %dma_wait3A_253 = arith.constant 0 : i32
        %dma_wait3A_254 = arith.constant 0 : i32
        %dma_wait3A_255 = tpu.memref_slice %dma_wait3A_252[%dma_wait3A_245, %dma_wait3A_253, %dma_wait3A_254] : memref<2x128x128xf32, #tpu.memory_space<vmem_shared>> -> memref<1x128x128xf32, #tpu.memory_space<vmem_shared>>
        %dma_wait3A_256 = tpu.memref_squeeze %dma_wait3A_255 : memref<1x128x128xf32, #tpu.memory_space<vmem_shared>> -> memref<128x128xf32, #tpu.memory_space<vmem_shared>>
        tpu.wait_dma2 semaphore(%arg13 : memref<!tpu.dma_semaphore, #tpu.memory_space<semaphore_mem>>) src(%dma_wait3A_256 : memref<128x128xf32, #tpu.memory_space<vmem_shared>>) dst(%dma_wait3A_247 : memref<128x128xf32, #tpu.memory_space<hbm>>)
      } else {
      }
      %run_scoped3A_142 = arith.constant 1 : i32
      %run_scoped3A_143 = arith.constant 1 : i32
      "tpu.region"() ({
        %run_scoped3A_245 = tpu.sem_alloc : memref<!tpu.dma_semaphore, #tpu.memory_space<semaphore_mem>>
        %dma_start3A_246 = arith.constant 0 : i32
        %dma_start3A_247 = arith.constant 0 : i32
        %dma_start3A_248 = tpu.memref_slice %arg6[%run_scoped3A_142, %dma_start3A_246, %dma_start3A_247] : memref<4x128x128xf32, #tpu.memory_space<vmem>> -> memref<1x128x128xf32, #tpu.memory_space<vmem>>
        %dma_start3A_249 = tpu.memref_squeeze %dma_start3A_248 : memref<1x128x128xf32, #tpu.memory_space<vmem>> -> memref<128x128xf32, #tpu.memory_space<vmem>>
        %dma_start3A_250 = arith.constant 0 : i32
        %dma_start3A_251 = arith.constant 0 : i32
        %dma_start3A_252 = arith.constant 0 : i32
        %dma_start3A_253 = tpu.memref_slice %arg7[%arg1, %dma_start3A_250, %dma_start3A_251, %dma_start3A_252] : memref<16x2x128x128xf32, #tpu.memory_space<vmem_shared>> -> memref<1x2x128x128xf32, #tpu.memory_space<vmem_shared>>
        %dma_start3A_254 = tpu.memref_squeeze %dma_start3A_253 : memref<1x2x128x128xf32, #tpu.memory_space<vmem_shared>> -> memref<2x128x128xf32, #tpu.memory_space<vmem_shared>>
        %dma_start3A_255 = arith.constant 0 : i32
        %dma_start3A_256 = arith.constant 0 : i32
        %dma_start3A_257 = tpu.memref_slice %dma_start3A_254[%run_scoped3A_143, %dma_start3A_255, %dma_start3A_256] : memref<2x128x128xf32, #tpu.memory_space<vmem_shared>> -> memref<1x128x128xf32, #tpu.memory_space<vmem_shared>>
        %dma_start3A_258 = tpu.memref_squeeze %dma_start3A_257 : memref<1x128x128xf32, #tpu.memory_space<vmem_shared>> -> memref<128x128xf32, #tpu.memory_space<vmem_shared>>
        %dma_start3A_259 = arith.constant 0 : i32
        %dma_start3A_260 = arith.constant 0 : i32
        %dma_start3A_261 = arith.constant 0 : i32
        %dma_start3A_262 = tpu.memref_slice %arg7[%arg1, %dma_start3A_259, %dma_start3A_260, %dma_start3A_261] : memref<16x2x128x128xf32, #tpu.memory_space<vmem_shared>> -> memref<1x2x128x128xf32, #tpu.memory_space<vmem_shared>>
        %dma_start3A_263 = tpu.memref_squeeze %dma_start3A_262 : memref<1x2x128x128xf32, #tpu.memory_space<vmem_shared>> -> memref<2x128x128xf32, #tpu.memory_space<vmem_shared>>
        %dma_start3A_264 = arith.constant 0 : i32
        %dma_start3A_265 = arith.constant 0 : i32
        %dma_start3A_266 = tpu.memref_slice %dma_start3A_263[%run_scoped3A_143, %dma_start3A_264, %dma_start3A_265] : memref<2x128x128xf32, #tpu.memory_space<vmem_shared>> -> memref<1x128x128xf32, #tpu.memory_space<vmem_shared>>
        %dma_start3A_267 = tpu.memref_squeeze %dma_start3A_266 : memref<1x128x128xf32, #tpu.memory_space<vmem_shared>> -> memref<128x128xf32, #tpu.memory_space<vmem_shared>>
        %dma_start3A_268 = arith.constant 0 : i32
        %dma_start3A_269 = arith.constant 0 : i32
        %dma_start3A_270 = tpu.memref_slice %arg6[%run_scoped3A_142, %dma_start3A_268, %dma_start3A_269] : memref<4x128x128xf32, #tpu.memory_space<vmem>> -> memref<1x128x128xf32, #tpu.memory_space<vmem>>
        %dma_start3A_271 = tpu.memref_squeeze %dma_start3A_270 : memref<1x128x128xf32, #tpu.memory_space<vmem>> -> memref<128x128xf32, #tpu.memory_space<vmem>>
        tpu.enqueue_dma source(%dma_start3A_271 : memref<128x128xf32, #tpu.memory_space<vmem>>) target(%dma_start3A_267 : memref<128x128xf32, #tpu.memory_space<vmem_shared>>) target_semaphore(%run_scoped3A_245 : memref<!tpu.dma_semaphore, #tpu.memory_space<semaphore_mem>>)
        %dma_wait3A_272 = arith.constant 0 : i32
        %dma_wait3A_273 = arith.constant 0 : i32
        %dma_wait3A_274 = tpu.memref_slice %arg6[%run_scoped3A_142, %dma_wait3A_272, %dma_wait3A_273] : memref<4x128x128xf32, #tpu.memory_space<vmem>> -> memref<1x128x128xf32, #tpu.memory_space<vmem>>
        %dma_wait3A_275 = tpu.memref_squeeze %dma_wait3A_274 : memref<1x128x128xf32, #tpu.memory_space<vmem>> -> memref<128x128xf32, #tpu.memory_space<vmem>>
        %dma_wait3A_276 = arith.constant 0 : i32
        %dma_wait3A_277 = arith.constant 0 : i32
        %dma_wait3A_278 = arith.constant 0 : i32
        %dma_wait3A_279 = tpu.memref_slice %arg7[%arg1, %dma_wait3A_276, %dma_wait3A_277, %dma_wait3A_278] : memref<16x2x128x128xf32, #tpu.memory_space<vmem_shared>> -> memref<1x2x128x128xf32, #tpu.memory_space<vmem_shared>>
        %dma_wait3A_280 = tpu.memref_squeeze %dma_wait3A_279 : memref<1x2x128x128xf32, #tpu.memory_space<vmem_shared>> -> memref<2x128x128xf32, #tpu.memory_space<vmem_shared>>
        %dma_wait3A_281 = arith.constant 0 : i32
        %dma_wait3A_282 = arith.constant 0 : i32
        %dma_wait3A_283 = tpu.memref_slice %dma_wait3A_280[%run_scoped3A_143, %dma_wait3A_281, %dma_wait3A_282] : memref<2x128x128xf32, #tpu.memory_space<vmem_shared>> -> memref<1x128x128xf32, #tpu.memory_space<vmem_shared>>
        %dma_wait3A_284 = tpu.memref_squeeze %dma_wait3A_283 : memref<1x128x128xf32, #tpu.memory_space<vmem_shared>> -> memref<128x128xf32, #tpu.memory_space<vmem_shared>>
        %dma_wait3A_285 = arith.constant 0 : i32
        %dma_wait3A_286 = arith.constant 0 : i32
        %dma_wait3A_287 = arith.constant 0 : i32
        %dma_wait3A_288 = tpu.memref_slice %arg7[%arg1, %dma_wait3A_285, %dma_wait3A_286, %dma_wait3A_287] : memref<16x2x128x128xf32, #tpu.memory_space<vmem_shared>> -> memref<1x2x128x128xf32, #tpu.memory_space<vmem_shared>>
        %dma_wait3A_289 = tpu.memref_squeeze %dma_wait3A_288 : memref<1x2x128x128xf32, #tpu.memory_space<vmem_shared>> -> memref<2x128x128xf32, #tpu.memory_space<vmem_shared>>
        %dma_wait3A_290 = arith.constant 0 : i32
        %dma_wait3A_291 = arith.constant 0 : i32
        %dma_wait3A_292 = tpu.memref_slice %dma_wait3A_289[%run_scoped3A_143, %dma_wait3A_290, %dma_wait3A_291] : memref<2x128x128xf32, #tpu.memory_space<vmem_shared>> -> memref<1x128x128xf32, #tpu.memory_space<vmem_shared>>
        %dma_wait3A_293 = tpu.memref_squeeze %dma_wait3A_292 : memref<1x128x128xf32, #tpu.memory_space<vmem_shared>> -> memref<128x128xf32, #tpu.memory_space<vmem_shared>>
        %dma_wait3A_294 = arith.constant 0 : i32
        %dma_wait3A_295 = arith.constant 0 : i32
        %dma_wait3A_296 = tpu.memref_slice %arg6[%run_scoped3A_142, %dma_wait3A_294, %dma_wait3A_295] : memref<4x128x128xf32, #tpu.memory_space<vmem>> -> memref<1x128x128xf32, #tpu.memory_space<vmem>>
        %dma_wait3A_297 = tpu.memref_squeeze %dma_wait3A_296 : memref<1x128x128xf32, #tpu.memory_space<vmem>> -> memref<128x128xf32, #tpu.memory_space<vmem>>
        tpu.wait_dma2 semaphore(%run_scoped3A_245 : memref<!tpu.dma_semaphore, #tpu.memory_space<semaphore_mem>>) src(%dma_wait3A_297 : memref<128x128xf32, #tpu.memory_space<vmem>>) dst(%dma_wait3A_293 : memref<128x128xf32, #tpu.memory_space<vmem_shared>>)
        tpu.yield
      }) : () -> ()
      %lt3A_144 = arith.constant 200 : i32
      %lt3A_145 = arith.cmpi slt, %add3A_133, %lt3A_144 : i32
      %convert_element_type3A_146 = arith.extui %lt3A_145 : i1 to i32
      %cond3A_147 = arith.constant 0 : i32
      %cond3A_148 = arith.cmpi ne, %convert_element_type3A_146, %cond3A_147 : i32
      scf.if %cond3A_148 {
        %dma_start3A_245 = arith.constant 1 : i32
        %dma_start3A_246 = arith.constant 0 : i32
        %dma_start3A_247 = arith.constant 0 : i32
        %dma_start3A_248 = tpu.memref_slice %arg6[%dma_start3A_245, %dma_start3A_246, %dma_start3A_247] : memref<4x128x128xf32, #tpu.memory_space<vmem>> -> memref<1x128x128xf32, #tpu.memory_space<vmem>>
        %dma_start3A_249 = tpu.memref_squeeze %dma_start3A_248 : memref<1x128x128xf32, #tpu.memory_space<vmem>> -> memref<128x128xf32, #tpu.memory_space<vmem>>
        %dma_start3A_250 = arith.constant 0 : i32
        %dma_start3A_251 = tpu.memref_slice %arg5[%add3A_133, %dma_start3A_250] : memref<200x128xi32, #tpu.memory_space<vmem>> -> memref<1x128xi32, #tpu.memory_space<vmem>>
        %dma_start3A_252 = tpu.memref_squeeze %dma_start3A_251 : memref<1x128xi32, #tpu.memory_space<vmem>> -> memref<128xi32, #tpu.memory_space<vmem>>
        %dma_start3A_253 = arith.constant 0 : i32
        %dma_start3A_254 = arith.constant 0 : i32
        %dma_start3A_255 = tpu.memref_slice %arg2[%dma_start3A_253, %dma_start3A_254] : memref<100000x128xf32, #tpu.memory_space<hbm>> -> memref<100000x128xf32, #tpu.memory_space<hbm>>
        tpu.enqueue_indirect_dma source(%dma_start3A_255 : memref<100000x128xf32, #tpu.memory_space<hbm>>) target(%dma_start3A_249 : memref<128x128xf32, #tpu.memory_space<vmem>>) offsets(%dma_start3A_252 : memref<128xi32, #tpu.memory_space<vmem>>) semaphore(%arg9 : memref<!tpu.dma_semaphore, #tpu.memory_space<semaphore_mem>>)
      } else {
      }
      %dma_start3A_149 = arith.constant 1 : i32
      %dma_start3A_150 = arith.constant 0 : i32
      %dma_start3A_151 = tpu.memref_slice %arg4[%add3A_136, %dma_start3A_150] : memref<819200x128xf32, #tpu.memory_space<hbm>> -> memref<128x128xf32, #tpu.memory_space<hbm>>
      %dma_start3A_152 = arith.constant 0 : i32
      %dma_start3A_153 = arith.constant 0 : i32
      %dma_start3A_154 = arith.constant 0 : i32
      %dma_start3A_155 = tpu.memref_slice %arg7[%arg1, %dma_start3A_152, %dma_start3A_153, %dma_start3A_154] : memref<16x2x128x128xf32, #tpu.memory_space<vmem_shared>> -> memref<1x2x128x128xf32, #tpu.memory_space<vmem_shared>>
      %dma_start3A_156 = tpu.memref_squeeze %dma_start3A_155 : memref<1x2x128x128xf32, #tpu.memory_space<vmem_shared>> -> memref<2x128x128xf32, #tpu.memory_space<vmem_shared>>
      %dma_start3A_157 = arith.constant 0 : i32
      %dma_start3A_158 = arith.constant 0 : i32
      %dma_start3A_159 = tpu.memref_slice %dma_start3A_156[%dma_start3A_149, %dma_start3A_157, %dma_start3A_158] : memref<2x128x128xf32, #tpu.memory_space<vmem_shared>> -> memref<1x128x128xf32, #tpu.memory_space<vmem_shared>>
      %dma_start3A_160 = tpu.memref_squeeze %dma_start3A_159 : memref<1x128x128xf32, #tpu.memory_space<vmem_shared>> -> memref<128x128xf32, #tpu.memory_space<vmem_shared>>
      tpu.enqueue_dma source(%dma_start3A_160 : memref<128x128xf32, #tpu.memory_space<vmem_shared>>) target(%dma_start3A_151 : memref<128x128xf32, #tpu.memory_space<hbm>>) target_semaphore(%arg13 : memref<!tpu.dma_semaphore, #tpu.memory_space<semaphore_mem>>)
      %add3A_161 = arith.constant 2 : i32
      %add3A_162 = arith.addi %add3A_81, %add3A_161 : i32
      %dma_wait3A_163 = arith.constant 2 : i32
      %dma_wait3A_164 = arith.constant 0 : i32
      %dma_wait3A_165 = arith.constant 0 : i32
      %dma_wait3A_166 = tpu.memref_slice %arg6[%dma_wait3A_163, %dma_wait3A_164, %dma_wait3A_165] : memref<4x128x128xf32, #tpu.memory_space<vmem>> -> memref<1x128x128xf32, #tpu.memory_space<vmem>>
      %dma_wait3A_167 = tpu.memref_squeeze %dma_wait3A_166 : memref<1x128x128xf32, #tpu.memory_space<vmem>> -> memref<128x128xf32, #tpu.memory_space<vmem>>
      %dma_wait3A_168 = arith.constant 0 : i32
      %dma_wait3A_169 = tpu.memref_slice %arg5[%add3A_162, %dma_wait3A_168] : memref<200x128xi32, #tpu.memory_space<vmem>> -> memref<1x128xi32, #tpu.memory_space<vmem>>
      %dma_wait3A_170 = tpu.memref_squeeze %dma_wait3A_169 : memref<1x128xi32, #tpu.memory_space<vmem>> -> memref<128xi32, #tpu.memory_space<vmem>>
      %dma_wait3A_171 = arith.constant 0 : i32
      %dma_wait3A_172 = arith.constant 0 : i32
      %dma_wait3A_173 = tpu.memref_slice %arg2[%dma_wait3A_171, %dma_wait3A_172] : memref<100000x128xf32, #tpu.memory_space<hbm>> -> memref<100000x128xf32, #tpu.memory_space<hbm>>
      tpu.wait_indirect_dma semaphore(%arg10 : memref<!tpu.dma_semaphore, #tpu.memory_space<semaphore_mem>>) src(%dma_wait3A_173 : memref<100000x128xf32, #tpu.memory_space<hbm>>) dst(%dma_wait3A_167 : memref<128x128xf32, #tpu.memory_space<vmem>>)
      %add3A_174 = arith.constant 4 : i32
      %add3A_175 = arith.addi %add3A_162, %add3A_174 : i32
      %mul3A_176 = arith.constant 128 : i32
      %mul3A_177 = arith.muli %add3A_162, %mul3A_176 : i32
      %add3A_178 = arith.addi %mul3A_2, %mul3A_177 : i32
      %ge3A_179 = arith.constant 2 : i32
      %ge3A_180 = arith.cmpi sge, %add3A_162, %ge3A_179 : i32
      %convert_element_type3A_181 = arith.extui %ge3A_180 : i1 to i32
      %cond3A_182 = arith.constant 0 : i32
      %cond3A_183 = arith.cmpi ne, %convert_element_type3A_181, %cond3A_182 : i32
      scf.if %cond3A_183 {
        %dma_wait3A_245 = arith.constant 0 : i32
        %dma_wait3A_246 = arith.constant 0 : i32
        %dma_wait3A_247 = tpu.memref_slice %arg4[%add3A_178, %dma_wait3A_246] : memref<819200x128xf32, #tpu.memory_space<hbm>> -> memref<128x128xf32, #tpu.memory_space<hbm>>
        %dma_wait3A_248 = arith.constant 0 : i32
        %dma_wait3A_249 = arith.constant 0 : i32
        %dma_wait3A_250 = arith.constant 0 : i32
        %dma_wait3A_251 = tpu.memref_slice %arg7[%arg1, %dma_wait3A_248, %dma_wait3A_249, %dma_wait3A_250] : memref<16x2x128x128xf32, #tpu.memory_space<vmem_shared>> -> memref<1x2x128x128xf32, #tpu.memory_space<vmem_shared>>
        %dma_wait3A_252 = tpu.memref_squeeze %dma_wait3A_251 : memref<1x2x128x128xf32, #tpu.memory_space<vmem_shared>> -> memref<2x128x128xf32, #tpu.memory_space<vmem_shared>>
        %dma_wait3A_253 = arith.constant 0 : i32
        %dma_wait3A_254 = arith.constant 0 : i32
        %dma_wait3A_255 = tpu.memref_slice %dma_wait3A_252[%dma_wait3A_245, %dma_wait3A_253, %dma_wait3A_254] : memref<2x128x128xf32, #tpu.memory_space<vmem_shared>> -> memref<1x128x128xf32, #tpu.memory_space<vmem_shared>>
        %dma_wait3A_256 = tpu.memref_squeeze %dma_wait3A_255 : memref<1x128x128xf32, #tpu.memory_space<vmem_shared>> -> memref<128x128xf32, #tpu.memory_space<vmem_shared>>
        tpu.wait_dma2 semaphore(%arg12 : memref<!tpu.dma_semaphore, #tpu.memory_space<semaphore_mem>>) src(%dma_wait3A_256 : memref<128x128xf32, #tpu.memory_space<vmem_shared>>) dst(%dma_wait3A_247 : memref<128x128xf32, #tpu.memory_space<hbm>>)
      } else {
      }
      %run_scoped3A_184 = arith.constant 2 : i32
      %run_scoped3A_185 = arith.constant 0 : i32
      "tpu.region"() ({
        %run_scoped3A_245 = tpu.sem_alloc : memref<!tpu.dma_semaphore, #tpu.memory_space<semaphore_mem>>
        %dma_start3A_246 = arith.constant 0 : i32
        %dma_start3A_247 = arith.constant 0 : i32
        %dma_start3A_248 = tpu.memref_slice %arg6[%run_scoped3A_184, %dma_start3A_246, %dma_start3A_247] : memref<4x128x128xf32, #tpu.memory_space<vmem>> -> memref<1x128x128xf32, #tpu.memory_space<vmem>>
        %dma_start3A_249 = tpu.memref_squeeze %dma_start3A_248 : memref<1x128x128xf32, #tpu.memory_space<vmem>> -> memref<128x128xf32, #tpu.memory_space<vmem>>
        %dma_start3A_250 = arith.constant 0 : i32
        %dma_start3A_251 = arith.constant 0 : i32
        %dma_start3A_252 = arith.constant 0 : i32
        %dma_start3A_253 = tpu.memref_slice %arg7[%arg1, %dma_start3A_250, %dma_start3A_251, %dma_start3A_252] : memref<16x2x128x128xf32, #tpu.memory_space<vmem_shared>> -> memref<1x2x128x128xf32, #tpu.memory_space<vmem_shared>>
        %dma_start3A_254 = tpu.memref_squeeze %dma_start3A_253 : memref<1x2x128x128xf32, #tpu.memory_space<vmem_shared>> -> memref<2x128x128xf32, #tpu.memory_space<vmem_shared>>
        %dma_start3A_255 = arith.constant 0 : i32
        %dma_start3A_256 = arith.constant 0 : i32
        %dma_start3A_257 = tpu.memref_slice %dma_start3A_254[%run_scoped3A_185, %dma_start3A_255, %dma_start3A_256] : memref<2x128x128xf32, #tpu.memory_space<vmem_shared>> -> memref<1x128x128xf32, #tpu.memory_space<vmem_shared>>
        %dma_start3A_258 = tpu.memref_squeeze %dma_start3A_257 : memref<1x128x128xf32, #tpu.memory_space<vmem_shared>> -> memref<128x128xf32, #tpu.memory_space<vmem_shared>>
        %dma_start3A_259 = arith.constant 0 : i32
        %dma_start3A_260 = arith.constant 0 : i32
        %dma_start3A_261 = arith.constant 0 : i32
        %dma_start3A_262 = tpu.memref_slice %arg7[%arg1, %dma_start3A_259, %dma_start3A_260, %dma_start3A_261] : memref<16x2x128x128xf32, #tpu.memory_space<vmem_shared>> -> memref<1x2x128x128xf32, #tpu.memory_space<vmem_shared>>
        %dma_start3A_263 = tpu.memref_squeeze %dma_start3A_262 : memref<1x2x128x128xf32, #tpu.memory_space<vmem_shared>> -> memref<2x128x128xf32, #tpu.memory_space<vmem_shared>>
        %dma_start3A_264 = arith.constant 0 : i32
        %dma_start3A_265 = arith.constant 0 : i32
        %dma_start3A_266 = tpu.memref_slice %dma_start3A_263[%run_scoped3A_185, %dma_start3A_264, %dma_start3A_265] : memref<2x128x128xf32, #tpu.memory_space<vmem_shared>> -> memref<1x128x128xf32, #tpu.memory_space<vmem_shared>>
        %dma_start3A_267 = tpu.memref_squeeze %dma_start3A_266 : memref<1x128x128xf32, #tpu.memory_space<vmem_shared>> -> memref<128x128xf32, #tpu.memory_space<vmem_shared>>
        %dma_start3A_268 = arith.constant 0 : i32
        %dma_start3A_269 = arith.constant 0 : i32
        %dma_start3A_270 = tpu.memref_slice %arg6[%run_scoped3A_184, %dma_start3A_268, %dma_start3A_269] : memref<4x128x128xf32, #tpu.memory_space<vmem>> -> memref<1x128x128xf32, #tpu.memory_space<vmem>>
        %dma_start3A_271 = tpu.memref_squeeze %dma_start3A_270 : memref<1x128x128xf32, #tpu.memory_space<vmem>> -> memref<128x128xf32, #tpu.memory_space<vmem>>
        tpu.enqueue_dma source(%dma_start3A_271 : memref<128x128xf32, #tpu.memory_space<vmem>>) target(%dma_start3A_267 : memref<128x128xf32, #tpu.memory_space<vmem_shared>>) target_semaphore(%run_scoped3A_245 : memref<!tpu.dma_semaphore, #tpu.memory_space<semaphore_mem>>)
        %dma_wait3A_272 = arith.constant 0 : i32
        %dma_wait3A_273 = arith.constant 0 : i32
        %dma_wait3A_274 = tpu.memref_slice %arg6[%run_scoped3A_184, %dma_wait3A_272, %dma_wait3A_273] : memref<4x128x128xf32, #tpu.memory_space<vmem>> -> memref<1x128x128xf32, #tpu.memory_space<vmem>>
        %dma_wait3A_275 = tpu.memref_squeeze %dma_wait3A_274 : memref<1x128x128xf32, #tpu.memory_space<vmem>> -> memref<128x128xf32, #tpu.memory_space<vmem>>
        %dma_wait3A_276 = arith.constant 0 : i32
        %dma_wait3A_277 = arith.constant 0 : i32
        %dma_wait3A_278 = arith.constant 0 : i32
        %dma_wait3A_279 = tpu.memref_slice %arg7[%arg1, %dma_wait3A_276, %dma_wait3A_277, %dma_wait3A_278] : memref<16x2x128x128xf32, #tpu.memory_space<vmem_shared>> -> memref<1x2x128x128xf32, #tpu.memory_space<vmem_shared>>
        %dma_wait3A_280 = tpu.memref_squeeze %dma_wait3A_279 : memref<1x2x128x128xf32, #tpu.memory_space<vmem_shared>> -> memref<2x128x128xf32, #tpu.memory_space<vmem_shared>>
        %dma_wait3A_281 = arith.constant 0 : i32
        %dma_wait3A_282 = arith.constant 0 : i32
        %dma_wait3A_283 = tpu.memref_slice %dma_wait3A_280[%run_scoped3A_185, %dma_wait3A_281, %dma_wait3A_282] : memref<2x128x128xf32, #tpu.memory_space<vmem_shared>> -> memref<1x128x128xf32, #tpu.memory_space<vmem_shared>>
        %dma_wait3A_284 = tpu.memref_squeeze %dma_wait3A_283 : memref<1x128x128xf32, #tpu.memory_space<vmem_shared>> -> memref<128x128xf32, #tpu.memory_space<vmem_shared>>
        %dma_wait3A_285 = arith.constant 0 : i32
        %dma_wait3A_286 = arith.constant 0 : i32
        %dma_wait3A_287 = arith.constant 0 : i32
        %dma_wait3A_288 = tpu.memref_slice %arg7[%arg1, %dma_wait3A_285, %dma_wait3A_286, %dma_wait3A_287] : memref<16x2x128x128xf32, #tpu.memory_space<vmem_shared>> -> memref<1x2x128x128xf32, #tpu.memory_space<vmem_shared>>
        %dma_wait3A_289 = tpu.memref_squeeze %dma_wait3A_288 : memref<1x2x128x128xf32, #tpu.memory_space<vmem_shared>> -> memref<2x128x128xf32, #tpu.memory_space<vmem_shared>>
        %dma_wait3A_290 = arith.constant 0 : i32
        %dma_wait3A_291 = arith.constant 0 : i32
        %dma_wait3A_292 = tpu.memref_slice %dma_wait3A_289[%run_scoped3A_185, %dma_wait3A_290, %dma_wait3A_291] : memref<2x128x128xf32, #tpu.memory_space<vmem_shared>> -> memref<1x128x128xf32, #tpu.memory_space<vmem_shared>>
        %dma_wait3A_293 = tpu.memref_squeeze %dma_wait3A_292 : memref<1x128x128xf32, #tpu.memory_space<vmem_shared>> -> memref<128x128xf32, #tpu.memory_space<vmem_shared>>
        %dma_wait3A_294 = arith.constant 0 : i32
        %dma_wait3A_295 = arith.constant 0 : i32
        %dma_wait3A_296 = tpu.memref_slice %arg6[%run_scoped3A_184, %dma_wait3A_294, %dma_wait3A_295] : memref<4x128x128xf32, #tpu.memory_space<vmem>> -> memref<1x128x128xf32, #tpu.memory_space<vmem>>
        %dma_wait3A_297 = tpu.memref_squeeze %dma_wait3A_296 : memref<1x128x128xf32, #tpu.memory_space<vmem>> -> memref<128x128xf32, #tpu.memory_space<vmem>>
        tpu.wait_dma2 semaphore(%run_scoped3A_245 : memref<!tpu.dma_semaphore, #tpu.memory_space<semaphore_mem>>) src(%dma_wait3A_297 : memref<128x128xf32, #tpu.memory_space<vmem>>) dst(%dma_wait3A_293 : memref<128x128xf32, #tpu.memory_space<vmem_shared>>)
        tpu.yield
      }) : () -> ()
      %lt3A_186 = arith.constant 200 : i32
      %lt3A_187 = arith.cmpi slt, %add3A_175, %lt3A_186 : i32
      %convert_element_type3A_188 = arith.extui %lt3A_187 : i1 to i32
      %cond3A_189 = arith.constant 0 : i32
      %cond3A_190 = arith.cmpi ne, %convert_element_type3A_188, %cond3A_189 : i32
      scf.if %cond3A_190 {
        %dma_start3A_245 = arith.constant 2 : i32
        %dma_start3A_246 = arith.constant 0 : i32
        %dma_start3A_247 = arith.constant 0 : i32
        %dma_start3A_248 = tpu.memref_slice %arg6[%dma_start3A_245, %dma_start3A_246, %dma_start3A_247] : memref<4x128x128xf32, #tpu.memory_space<vmem>> -> memref<1x128x128xf32, #tpu.memory_space<vmem>>
        %dma_start3A_249 = tpu.memref_squeeze %dma_start3A_248 : memref<1x128x128xf32, #tpu.memory_space<vmem>> -> memref<128x128xf32, #tpu.memory_space<vmem>>
        %dma_start3A_250 = arith.constant 0 : i32
        %dma_start3A_251 = tpu.memref_slice %arg5[%add3A_175, %dma_start3A_250] : memref<200x128xi32, #tpu.memory_space<vmem>> -> memref<1x128xi32, #tpu.memory_space<vmem>>
        %dma_start3A_252 = tpu.memref_squeeze %dma_start3A_251 : memref<1x128xi32, #tpu.memory_space<vmem>> -> memref<128xi32, #tpu.memory_space<vmem>>
        %dma_start3A_253 = arith.constant 0 : i32
        %dma_start3A_254 = arith.constant 0 : i32
        %dma_start3A_255 = tpu.memref_slice %arg2[%dma_start3A_253, %dma_start3A_254] : memref<100000x128xf32, #tpu.memory_space<hbm>> -> memref<100000x128xf32, #tpu.memory_space<hbm>>
        tpu.enqueue_indirect_dma source(%dma_start3A_255 : memref<100000x128xf32, #tpu.memory_space<hbm>>) target(%dma_start3A_249 : memref<128x128xf32, #tpu.memory_space<vmem>>) offsets(%dma_start3A_252 : memref<128xi32, #tpu.memory_space<vmem>>) semaphore(%arg10 : memref<!tpu.dma_semaphore, #tpu.memory_space<semaphore_mem>>)
      } else {
      }
      %dma_start3A_191 = arith.constant 0 : i32
      %dma_start3A_192 = arith.constant 0 : i32
      %dma_start3A_193 = tpu.memref_slice %arg4[%add3A_178, %dma_start3A_192] : memref<819200x128xf32, #tpu.memory_space<hbm>> -> memref<128x128xf32, #tpu.memory_space<hbm>>
      %dma_start3A_194 = arith.constant 0 : i32
      %dma_start3A_195 = arith.constant 0 : i32
      %dma_start3A_196 = arith.constant 0 : i32
      %dma_start3A_197 = tpu.memref_slice %arg7[%arg1, %dma_start3A_194, %dma_start3A_195, %dma_start3A_196] : memref<16x2x128x128xf32, #tpu.memory_space<vmem_shared>> -> memref<1x2x128x128xf32, #tpu.memory_space<vmem_shared>>
      %dma_start3A_198 = tpu.memref_squeeze %dma_start3A_197 : memref<1x2x128x128xf32, #tpu.memory_space<vmem_shared>> -> memref<2x128x128xf32, #tpu.memory_space<vmem_shared>>
      %dma_start3A_199 = arith.constant 0 : i32
      %dma_start3A_200 = arith.constant 0 : i32
      %dma_start3A_201 = tpu.memref_slice %dma_start3A_198[%dma_start3A_191, %dma_start3A_199, %dma_start3A_200] : memref<2x128x128xf32, #tpu.memory_space<vmem_shared>> -> memref<1x128x128xf32, #tpu.memory_space<vmem_shared>>
      %dma_start3A_202 = tpu.memref_squeeze %dma_start3A_201 : memref<1x128x128xf32, #tpu.memory_space<vmem_shared>> -> memref<128x128xf32, #tpu.memory_space<vmem_shared>>
      tpu.enqueue_dma source(%dma_start3A_202 : memref<128x128xf32, #tpu.memory_space<vmem_shared>>) target(%dma_start3A_193 : memref<128x128xf32, #tpu.memory_space<hbm>>) target_semaphore(%arg12 : memref<!tpu.dma_semaphore, #tpu.memory_space<semaphore_mem>>)
      %add3A_203 = arith.constant 3 : i32
      %add3A_204 = arith.addi %add3A_81, %add3A_203 : i32
      %dma_wait3A_205 = arith.constant 3 : i32
      %dma_wait3A_206 = arith.constant 0 : i32
      %dma_wait3A_207 = arith.constant 0 : i32
      %dma_wait3A_208 = tpu.memref_slice %arg6[%dma_wait3A_205, %dma_wait3A_206, %dma_wait3A_207] : memref<4x128x128xf32, #tpu.memory_space<vmem>> -> memref<1x128x128xf32, #tpu.memory_space<vmem>>
      %dma_wait3A_209 = tpu.memref_squeeze %dma_wait3A_208 : memref<1x128x128xf32, #tpu.memory_space<vmem>> -> memref<128x128xf32, #tpu.memory_space<vmem>>
      %dma_wait3A_210 = arith.constant 0 : i32
      %dma_wait3A_211 = tpu.memref_slice %arg5[%add3A_204, %dma_wait3A_210] : memref<200x128xi32, #tpu.memory_space<vmem>> -> memref<1x128xi32, #tpu.memory_space<vmem>>
      %dma_wait3A_212 = tpu.memref_squeeze %dma_wait3A_211 : memref<1x128xi32, #tpu.memory_space<vmem>> -> memref<128xi32, #tpu.memory_space<vmem>>
      %dma_wait3A_213 = arith.constant 0 : i32
      %dma_wait3A_214 = arith.constant 0 : i32
      %dma_wait3A_215 = tpu.memref_slice %arg2[%dma_wait3A_213, %dma_wait3A_214] : memref<100000x128xf32, #tpu.memory_space<hbm>> -> memref<100000x128xf32, #tpu.memory_space<hbm>>
      tpu.wait_indirect_dma semaphore(%arg11 : memref<!tpu.dma_semaphore, #tpu.memory_space<semaphore_mem>>) src(%dma_wait3A_215 : memref<100000x128xf32, #tpu.memory_space<hbm>>) dst(%dma_wait3A_209 : memref<128x128xf32, #tpu.memory_space<vmem>>)
      %add3A_216 = arith.constant 4 : i32
      %add3A_217 = arith.addi %add3A_204, %add3A_216 : i32
      %mul3A_218 = arith.constant 128 : i32
      %mul3A_219 = arith.muli %add3A_204, %mul3A_218 : i32
      %add3A_220 = arith.addi %mul3A_2, %mul3A_219 : i32
      %ge3A_221 = arith.constant 2 : i32
      %ge3A_222 = arith.cmpi sge, %add3A_204, %ge3A_221 : i32
      %convert_element_type3A_223 = arith.extui %ge3A_222 : i1 to i32
      %cond3A_224 = arith.constant 0 : i32
      %cond3A_225 = arith.cmpi ne, %convert_element_type3A_223, %cond3A_224 : i32
      scf.if %cond3A_225 {
        %dma_wait3A_245 = arith.constant 1 : i32
        %dma_wait3A_246 = arith.constant 0 : i32
        %dma_wait3A_247 = tpu.memref_slice %arg4[%add3A_220, %dma_wait3A_246] : memref<819200x128xf32, #tpu.memory_space<hbm>> -> memref<128x128xf32, #tpu.memory_space<hbm>>
        %dma_wait3A_248 = arith.constant 0 : i32
        %dma_wait3A_249 = arith.constant 0 : i32
        %dma_wait3A_250 = arith.constant 0 : i32
        %dma_wait3A_251 = tpu.memref_slice %arg7[%arg1, %dma_wait3A_248, %dma_wait3A_249, %dma_wait3A_250] : memref<16x2x128x128xf32, #tpu.memory_space<vmem_shared>> -> memref<1x2x128x128xf32, #tpu.memory_space<vmem_shared>>
        %dma_wait3A_252 = tpu.memref_squeeze %dma_wait3A_251 : memref<1x2x128x128xf32, #tpu.memory_space<vmem_shared>> -> memref<2x128x128xf32, #tpu.memory_space<vmem_shared>>
        %dma_wait3A_253 = arith.constant 0 : i32
        %dma_wait3A_254 = arith.constant 0 : i32
        %dma_wait3A_255 = tpu.memref_slice %dma_wait3A_252[%dma_wait3A_245, %dma_wait3A_253, %dma_wait3A_254] : memref<2x128x128xf32, #tpu.memory_space<vmem_shared>> -> memref<1x128x128xf32, #tpu.memory_space<vmem_shared>>
        %dma_wait3A_256 = tpu.memref_squeeze %dma_wait3A_255 : memref<1x128x128xf32, #tpu.memory_space<vmem_shared>> -> memref<128x128xf32, #tpu.memory_space<vmem_shared>>
        tpu.wait_dma2 semaphore(%arg13 : memref<!tpu.dma_semaphore, #tpu.memory_space<semaphore_mem>>) src(%dma_wait3A_256 : memref<128x128xf32, #tpu.memory_space<vmem_shared>>) dst(%dma_wait3A_247 : memref<128x128xf32, #tpu.memory_space<hbm>>)
      } else {
      }
      %run_scoped3A_226 = arith.constant 3 : i32
      %run_scoped3A_227 = arith.constant 1 : i32
      "tpu.region"() ({
        %run_scoped3A_245 = tpu.sem_alloc : memref<!tpu.dma_semaphore, #tpu.memory_space<semaphore_mem>>
        %dma_start3A_246 = arith.constant 0 : i32
        %dma_start3A_247 = arith.constant 0 : i32
        %dma_start3A_248 = tpu.memref_slice %arg6[%run_scoped3A_226, %dma_start3A_246, %dma_start3A_247] : memref<4x128x128xf32, #tpu.memory_space<vmem>> -> memref<1x128x128xf32, #tpu.memory_space<vmem>>
        %dma_start3A_249 = tpu.memref_squeeze %dma_start3A_248 : memref<1x128x128xf32, #tpu.memory_space<vmem>> -> memref<128x128xf32, #tpu.memory_space<vmem>>
        %dma_start3A_250 = arith.constant 0 : i32
        %dma_start3A_251 = arith.constant 0 : i32
        %dma_start3A_252 = arith.constant 0 : i32
        %dma_start3A_253 = tpu.memref_slice %arg7[%arg1, %dma_start3A_250, %dma_start3A_251, %dma_start3A_252] : memref<16x2x128x128xf32, #tpu.memory_space<vmem_shared>> -> memref<1x2x128x128xf32, #tpu.memory_space<vmem_shared>>
        %dma_start3A_254 = tpu.memref_squeeze %dma_start3A_253 : memref<1x2x128x128xf32, #tpu.memory_space<vmem_shared>> -> memref<2x128x128xf32, #tpu.memory_space<vmem_shared>>
        %dma_start3A_255 = arith.constant 0 : i32
        %dma_start3A_256 = arith.constant 0 : i32
        %dma_start3A_257 = tpu.memref_slice %dma_start3A_254[%run_scoped3A_227, %dma_start3A_255, %dma_start3A_256] : memref<2x128x128xf32, #tpu.memory_space<vmem_shared>> -> memref<1x128x128xf32, #tpu.memory_space<vmem_shared>>
        %dma_start3A_258 = tpu.memref_squeeze %dma_start3A_257 : memref<1x128x128xf32, #tpu.memory_space<vmem_shared>> -> memref<128x128xf32, #tpu.memory_space<vmem_shared>>
        %dma_start3A_259 = arith.constant 0 : i32
        %dma_start3A_260 = arith.constant 0 : i32
        %dma_start3A_261 = arith.constant 0 : i32
        %dma_start3A_262 = tpu.memref_slice %arg7[%arg1, %dma_start3A_259, %dma_start3A_260, %dma_start3A_261] : memref<16x2x128x128xf32, #tpu.memory_space<vmem_shared>> -> memref<1x2x128x128xf32, #tpu.memory_space<vmem_shared>>
        %dma_start3A_263 = tpu.memref_squeeze %dma_start3A_262 : memref<1x2x128x128xf32, #tpu.memory_space<vmem_shared>> -> memref<2x128x128xf32, #tpu.memory_space<vmem_shared>>
        %dma_start3A_264 = arith.constant 0 : i32
        %dma_start3A_265 = arith.constant 0 : i32
        %dma_start3A_266 = tpu.memref_slice %dma_start3A_263[%run_scoped3A_227, %dma_start3A_264, %dma_start3A_265] : memref<2x128x128xf32, #tpu.memory_space<vmem_shared>> -> memref<1x128x128xf32, #tpu.memory_space<vmem_shared>>
        %dma_start3A_267 = tpu.memref_squeeze %dma_start3A_266 : memref<1x128x128xf32, #tpu.memory_space<vmem_shared>> -> memref<128x128xf32, #tpu.memory_space<vmem_shared>>
        %dma_start3A_268 = arith.constant 0 : i32
        %dma_start3A_269 = arith.constant 0 : i32
        %dma_start3A_270 = tpu.memref_slice %arg6[%run_scoped3A_226, %dma_start3A_268, %dma_start3A_269] : memref<4x128x128xf32, #tpu.memory_space<vmem>> -> memref<1x128x128xf32, #tpu.memory_space<vmem>>
        %dma_start3A_271 = tpu.memref_squeeze %dma_start3A_270 : memref<1x128x128xf32, #tpu.memory_space<vmem>> -> memref<128x128xf32, #tpu.memory_space<vmem>>
        tpu.enqueue_dma source(%dma_start3A_271 : memref<128x128xf32, #tpu.memory_space<vmem>>) target(%dma_start3A_267 : memref<128x128xf32, #tpu.memory_space<vmem_shared>>) target_semaphore(%run_scoped3A_245 : memref<!tpu.dma_semaphore, #tpu.memory_space<semaphore_mem>>)
        %dma_wait3A_272 = arith.constant 0 : i32
        %dma_wait3A_273 = arith.constant 0 : i32
        %dma_wait3A_274 = tpu.memref_slice %arg6[%run_scoped3A_226, %dma_wait3A_272, %dma_wait3A_273] : memref<4x128x128xf32, #tpu.memory_space<vmem>> -> memref<1x128x128xf32, #tpu.memory_space<vmem>>
        %dma_wait3A_275 = tpu.memref_squeeze %dma_wait3A_274 : memref<1x128x128xf32, #tpu.memory_space<vmem>> -> memref<128x128xf32, #tpu.memory_space<vmem>>
        %dma_wait3A_276 = arith.constant 0 : i32
        %dma_wait3A_277 = arith.constant 0 : i32
        %dma_wait3A_278 = arith.constant 0 : i32
        %dma_wait3A_279 = tpu.memref_slice %arg7[%arg1, %dma_wait3A_276, %dma_wait3A_277, %dma_wait3A_278] : memref<16x2x128x128xf32, #tpu.memory_space<vmem_shared>> -> memref<1x2x128x128xf32, #tpu.memory_space<vmem_shared>>
        %dma_wait3A_280 = tpu.memref_squeeze %dma_wait3A_279 : memref<1x2x128x128xf32, #tpu.memory_space<vmem_shared>> -> memref<2x128x128xf32, #tpu.memory_space<vmem_shared>>
        %dma_wait3A_281 = arith.constant 0 : i32
        %dma_wait3A_282 = arith.constant 0 : i32
        %dma_wait3A_283 = tpu.memref_slice %dma_wait3A_280[%run_scoped3A_227, %dma_wait3A_281, %dma_wait3A_282] : memref<2x128x128xf32, #tpu.memory_space<vmem_shared>> -> memref<1x128x128xf32, #tpu.memory_space<vmem_shared>>
        %dma_wait3A_284 = tpu.memref_squeeze %dma_wait3A_283 : memref<1x128x128xf32, #tpu.memory_space<vmem_shared>> -> memref<128x128xf32, #tpu.memory_space<vmem_shared>>
        %dma_wait3A_285 = arith.constant 0 : i32
        %dma_wait3A_286 = arith.constant 0 : i32
        %dma_wait3A_287 = arith.constant 0 : i32
        %dma_wait3A_288 = tpu.memref_slice %arg7[%arg1, %dma_wait3A_285, %dma_wait3A_286, %dma_wait3A_287] : memref<16x2x128x128xf32, #tpu.memory_space<vmem_shared>> -> memref<1x2x128x128xf32, #tpu.memory_space<vmem_shared>>
        %dma_wait3A_289 = tpu.memref_squeeze %dma_wait3A_288 : memref<1x2x128x128xf32, #tpu.memory_space<vmem_shared>> -> memref<2x128x128xf32, #tpu.memory_space<vmem_shared>>
        %dma_wait3A_290 = arith.constant 0 : i32
        %dma_wait3A_291 = arith.constant 0 : i32
        %dma_wait3A_292 = tpu.memref_slice %dma_wait3A_289[%run_scoped3A_227, %dma_wait3A_290, %dma_wait3A_291] : memref<2x128x128xf32, #tpu.memory_space<vmem_shared>> -> memref<1x128x128xf32, #tpu.memory_space<vmem_shared>>
        %dma_wait3A_293 = tpu.memref_squeeze %dma_wait3A_292 : memref<1x128x128xf32, #tpu.memory_space<vmem_shared>> -> memref<128x128xf32, #tpu.memory_space<vmem_shared>>
        %dma_wait3A_294 = arith.constant 0 : i32
        %dma_wait3A_295 = arith.constant 0 : i32
        %dma_wait3A_296 = tpu.memref_slice %arg6[%run_scoped3A_226, %dma_wait3A_294, %dma_wait3A_295] : memref<4x128x128xf32, #tpu.memory_space<vmem>> -> memref<1x128x128xf32, #tpu.memory_space<vmem>>
        %dma_wait3A_297 = tpu.memref_squeeze %dma_wait3A_296 : memref<1x128x128xf32, #tpu.memory_space<vmem>> -> memref<128x128xf32, #tpu.memory_space<vmem>>
        tpu.wait_dma2 semaphore(%run_scoped3A_245 : memref<!tpu.dma_semaphore, #tpu.memory_space<semaphore_mem>>) src(%dma_wait3A_297 : memref<128x128xf32, #tpu.memory_space<vmem>>) dst(%dma_wait3A_293 : memref<128x128xf32, #tpu.memory_space<vmem_shared>>)
        tpu.yield
      }) : () -> ()
      %lt3A_228 = arith.constant 200 : i32
      %lt3A_229 = arith.cmpi slt, %add3A_217, %lt3A_228 : i32
      %convert_element_type3A_230 = arith.extui %lt3A_229 : i1 to i32
      %cond3A_231 = arith.constant 0 : i32
      %cond3A_232 = arith.cmpi ne, %convert_element_type3A_230, %cond3A_231 : i32
      scf.if %cond3A_232 {
        %dma_start3A_245 = arith.constant 3 : i32
        %dma_start3A_246 = arith.constant 0 : i32
        %dma_start3A_247 = arith.constant 0 : i32
        %dma_start3A_248 = tpu.memref_slice %arg6[%dma_start3A_245, %dma_start3A_246, %dma_start3A_247] : memref<4x128x128xf32, #tpu.memory_space<vmem>> -> memref<1x128x128xf32, #tpu.memory_space<vmem>>
        %dma_start3A_249 = tpu.memref_squeeze %dma_start3A_248 : memref<1x128x128xf32, #tpu.memory_space<vmem>> -> memref<128x128xf32, #tpu.memory_space<vmem>>
        %dma_start3A_250 = arith.constant 0 : i32
        %dma_start3A_251 = tpu.memref_slice %arg5[%add3A_217, %dma_start3A_250] : memref<200x128xi32, #tpu.memory_space<vmem>> -> memref<1x128xi32, #tpu.memory_space<vmem>>
        %dma_start3A_252 = tpu.memref_squeeze %dma_start3A_251 : memref<1x128xi32, #tpu.memory_space<vmem>> -> memref<128xi32, #tpu.memory_space<vmem>>
        %dma_start3A_253 = arith.constant 0 : i32
        %dma_start3A_254 = arith.constant 0 : i32
        %dma_start3A_255 = tpu.memref_slice %arg2[%dma_start3A_253, %dma_start3A_254] : memref<100000x128xf32, #tpu.memory_space<hbm>> -> memref<100000x128xf32, #tpu.memory_space<hbm>>
        tpu.enqueue_indirect_dma source(%dma_start3A_255 : memref<100000x128xf32, #tpu.memory_space<hbm>>) target(%dma_start3A_249 : memref<128x128xf32, #tpu.memory_space<vmem>>) offsets(%dma_start3A_252 : memref<128xi32, #tpu.memory_space<vmem>>) semaphore(%arg11 : memref<!tpu.dma_semaphore, #tpu.memory_space<semaphore_mem>>)
      } else {
      }
      %dma_start3A_233 = arith.constant 1 : i32
      %dma_start3A_234 = arith.constant 0 : i32
      %dma_start3A_235 = tpu.memref_slice %arg4[%add3A_220, %dma_start3A_234] : memref<819200x128xf32, #tpu.memory_space<hbm>> -> memref<128x128xf32, #tpu.memory_space<hbm>>
      %dma_start3A_236 = arith.constant 0 : i32
      %dma_start3A_237 = arith.constant 0 : i32
      %dma_start3A_238 = arith.constant 0 : i32
      %dma_start3A_239 = tpu.memref_slice %arg7[%arg1, %dma_start3A_236, %dma_start3A_237, %dma_start3A_238] : memref<16x2x128x128xf32, #tpu.memory_space<vmem_shared>> -> memref<1x2x128x128xf32, #tpu.memory_space<vmem_shared>>
      %dma_start3A_240 = tpu.memref_squeeze %dma_start3A_239 : memref<1x2x128x128xf32, #tpu.memory_space<vmem_shared>> -> memref<2x128x128xf32, #tpu.memory_space<vmem_shared>>
      %dma_start3A_241 = arith.constant 0 : i32
      %dma_start3A_242 = arith.constant 0 : i32
      %dma_start3A_243 = tpu.memref_slice %dma_start3A_240[%dma_start3A_233, %dma_start3A_241, %dma_start3A_242] : memref<2x128x128xf32, #tpu.memory_space<vmem_shared>> -> memref<1x128x128xf32, #tpu.memory_space<vmem_shared>>
      %dma_start3A_244 = tpu.memref_squeeze %dma_start3A_243 : memref<1x128x128xf32, #tpu.memory_space<vmem_shared>> -> memref<128x128xf32, #tpu.memory_space<vmem_shared>>
      tpu.enqueue_dma source(%dma_start3A_244 : memref<128x128xf32, #tpu.memory_space<vmem_shared>>) target(%dma_start3A_235 : memref<128x128xf32, #tpu.memory_space<hbm>>) target_semaphore(%arg13 : memref<!tpu.dma_semaphore, #tpu.memory_space<semaphore_mem>>)
    }
    %scan3A_53 = arith.constant 50 : i32
    %dma_wait3A = arith.constant 0 : i32
    %dma_wait3A_54 = arith.constant 0 : i32
    %dma_wait3A_55 = tpu.memref_slice %arg4[%mul3A_2, %dma_wait3A_54] : memref<819200x128xf32, #tpu.memory_space<hbm>> -> memref<128x128xf32, #tpu.memory_space<hbm>>
    %dma_wait3A_56 = arith.constant 0 : i32
    %dma_wait3A_57 = arith.constant 0 : i32
    %dma_wait3A_58 = arith.constant 0 : i32
    %dma_wait3A_59 = tpu.memref_slice %arg7[%arg1, %dma_wait3A_56, %dma_wait3A_57, %dma_wait3A_58] : memref<16x2x128x128xf32, #tpu.memory_space<vmem_shared>> -> memref<1x2x128x128xf32, #tpu.memory_space<vmem_shared>>
    %dma_wait3A_60 = tpu.memref_squeeze %dma_wait3A_59 : memref<1x2x128x128xf32, #tpu.memory_space<vmem_shared>> -> memref<2x128x128xf32, #tpu.memory_space<vmem_shared>>
    %dma_wait3A_61 = arith.constant 0 : i32
    %dma_wait3A_62 = arith.constant 0 : i32
    %dma_wait3A_63 = tpu.memref_slice %dma_wait3A_60[%dma_wait3A, %dma_wait3A_61, %dma_wait3A_62] : memref<2x128x128xf32, #tpu.memory_space<vmem_shared>> -> memref<1x128x128xf32, #tpu.memory_space<vmem_shared>>
    %dma_wait3A_64 = tpu.memref_squeeze %dma_wait3A_63 : memref<1x128x128xf32, #tpu.memory_space<vmem_shared>> -> memref<128x128xf32, #tpu.memory_space<vmem_shared>>
    tpu.wait_dma2 semaphore(%arg12 : memref<!tpu.dma_semaphore, #tpu.memory_space<semaphore_mem>>) src(%dma_wait3A_64 : memref<128x128xf32, #tpu.memory_space<vmem_shared>>) dst(%dma_wait3A_55 : memref<128x128xf32, #tpu.memory_space<hbm>>)
    %dma_wait3A_65 = arith.constant 1 : i32
    %dma_wait3A_66 = arith.constant 0 : i32
    %dma_wait3A_67 = tpu.memref_slice %arg4[%mul3A_2, %dma_wait3A_66] : memref<819200x128xf32, #tpu.memory_space<hbm>> -> memref<128x128xf32, #tpu.memory_space<hbm>>
    %dma_wait3A_68 = arith.constant 0 : i32
    %dma_wait3A_69 = arith.constant 0 : i32
    %dma_wait3A_70 = arith.constant 0 : i32
    %dma_wait3A_71 = tpu.memref_slice %arg7[%arg1, %dma_wait3A_68, %dma_wait3A_69, %dma_wait3A_70] : memref<16x2x128x128xf32, #tpu.memory_space<vmem_shared>> -> memref<1x2x128x128xf32, #tpu.memory_space<vmem_shared>>
    %dma_wait3A_72 = tpu.memref_squeeze %dma_wait3A_71 : memref<1x2x128x128xf32, #tpu.memory_space<vmem_shared>> -> memref<2x128x128xf32, #tpu.memory_space<vmem_shared>>
    %dma_wait3A_73 = arith.constant 0 : i32
    %dma_wait3A_74 = arith.constant 0 : i32
    %dma_wait3A_75 = tpu.memref_slice %dma_wait3A_72[%dma_wait3A_65, %dma_wait3A_73, %dma_wait3A_74] : memref<2x128x128xf32, #tpu.memory_space<vmem_shared>> -> memref<1x128x128xf32, #tpu.memory_space<vmem_shared>>
    %dma_wait3A_76 = tpu.memref_squeeze %dma_wait3A_75 : memref<1x128x128xf32, #tpu.memory_space<vmem_shared>> -> memref<128x128xf32, #tpu.memory_space<vmem_shared>>
    tpu.wait_dma2 semaphore(%arg13 : memref<!tpu.dma_semaphore, #tpu.memory_space<semaphore_mem>>) src(%dma_wait3A_76 : memref<128x128xf32, #tpu.memory_space<vmem_shared>>) dst(%dma_wait3A_67 : memref<128x128xf32, #tpu.memory_space<hbm>>)
    return
  }
}

</mosaic_0001>

<sc_bundles>
// kernel: kernel.3.cloned.1.call-start
scs
__scs_entry_jumppad:
0x0: {  	(pc) =	sbr.rel $0x88, $3  }
0x1: {  	(tag) =	ssettag $0x0;
	lr =	simm.s32 $0x1  }
0x2: {  	[smem:$0x3F9F] =	sst lr;
	_ =	strace $0xD0000000  }
0x3: {  	_ = 	snop  }
0x4: {  	_ = 	snop  }
0x5: {  	_ = 	snop  }
0x6: {  	_ = 	snop  }
0x7: {  	_ = 	snop  }
__scs_overlays_trampoline_lowered:
0x8: {  	[smem:$0x3FAE] =	sst s0  }
0x9: {  	[smem:$0x3FAF] =	sst s1  }
0xa: {  	[smem:$0x3FB0] =	sst s2  }
0xb: {  	[smem:$0x3FB1] =	sst s3  }
0xc: {  	[smem:$0x3FB2] =	sst s4  }
0xd: {  	[smem:$0x3FB3] =	sst s5  }
0xe: {  	[smem:$0x3FB4] =	sst s6  }
0xf: {  	[smem:$0x3FB5] =	sst s7  }
0x10: {  	[smem:$0x3FB6] =	sst s8  }
0x11: {  	[smem:$0x3FB7] =	sst s9;
	s0 =	simm.s32 @!p0 $0x0  }
0x12: {  	s1 =	sld [smem:$0x3F9D];
	s0 =	simm.s32 @p0 $0x1  }
0x13: {  	[smem:$0x3FB8] =	sst s0;
	s0 =	simm.s32 @!p1 $0x0  }
0x14: {  	s2 =	sld [smem:$0x3F9C];
	s0 =	simm.s32 @p1 $0x1  }
0x15: {  	[smem:$0x3FB9] =	sst s0;
	s0 =	simm.s32 @!p2 $0x0  }
0x16: {  	s3 =	sld [smem:$0x3FDB];
	s0 =	simm.s32 @p2 $0x1  }
0x17: {  	s4 =	simm.s32 $0x1BF5;
	[smem:$0x3FBB] =	sst s0  }
0x18: {  	s0 =	sld [smem:$0x3F9E];
	_ =	swait.ge [sflag:s4], $0x0  }
0x19: {  	s7 =	sld [smem:$0x3F9F]  }
0x1a: {  	s8 =	sadd.s32 $0xFFFFE003, lr  }
0x1b: {  	s9 =	sadd.s32 $0xFFFFFEF7, lr;
	s5 =	simm.s32 $0xFFFFFFFF;
	p2 =	slt.u32 s8, $0xFFFFF086  }
0x1c: {  	p1 =	slt.u32 s9, $0xF7A;
	s5 =	simm.s32 @!p2 $0x0  }
0x1d: {  	s5 =	simm.s32 @p1 $0x1;
	p0 =	seq.s32 s7, s2  }
0x1e: {  	s7 =	smul.u32 @!p0 $0xF7A, s2;
	p2 =	seq.s32 @!p0 s5, $0x0  }
0x1f: {  	s9 =	smul.u32 $0xF7A, s1;
	s8 =	simm.s32 @!p0 $0x1BF5;
	p2 =	por !p2, p0  }
0x20: {  	[sflag:s8] =	ssyncset.s32 @!p0 $0xFFFFF086;
	s6 =	sadd.s32 @!p0 s3, s7;
	s7 =	simm.s32 @!p0 $0x108  }
0x21: {  	s3 =	sadd.s32 s3, s9;
	s6 =	sadd.s32 @!p0 $0x88, s6;
	s7 =	simm.s32 @p2 $0x1082  }
0x22: {  	[simem:s7], [sflag:s8] =	dma.local @!p0 [hbm:s6], $0xF7A  }
0x23: {  	s9 =	sor.u32 $0xD0000000, s2;
	s6 =	simm.s32 $0x108;
	_ =	swait.ge @!p0 [sflag:s8], $0x0  }
0x24: {  	s3 =	sadd.s32 $0x88, s3;
	s6 =	simm.s32 @!p1 $0x1082;
	[sflag:s4] =	ssyncset.s32 $0xFFFFF086  }
0x25: {  	[simem:s6], [sflag:s4] =	dma.local [hbm:s3], $0xF7A  }
0x26: {  	[smem:$0x3F9F] =	sst s1;
	(tag) =	ssettag s2;
	_ =	strace s9  }
0x27: {  	s1 =	sld [smem:$0x3FAF]  }
0x28: {  	s2 =	sld [smem:$0x3FB0]  }
0x29: {  	s4 =	sld [smem:$0x3FB2]  }
0x2a: {  	p0 =	seq.s32 s5, $0x0;
	s5 =	sld [smem:$0x3FB3]  }
0x2b: {  	s6 =	sld [smem:$0x3FB4]  }
0x2c: {  	s7 =	sld [smem:$0x3FB5]  }
0x2d: {  	s3 =	simm.s32 $0x108;
	s8 =	sld [smem:$0x3FB6]  }
0x2e: {  	s3 =	simm.s32 @!p0 $0x1082;
	s9 =	sld [smem:$0x3FB7]  }
0x2f: {  	lr =	sadd.s32 s0, s3;
	s0 =	sld [smem:$0x3FAE]  }
0x30: {  	s3 =	sld [smem:$0x3FB1]  }
0x31: {  	[smem:$0x3FBA] =	sst s10  }
0x32: {  	s10 =	sld [smem:$0x3FB8];
	_ =	sdelay $0x3  }
0x33: {  	p0 =	seq.s32 s10, $0x1;
	s10 =	sld [smem:$0x3FBA];
	_ =	sdelay $0x3  }
0x34: {  	[smem:$0x3FBA] =	sst s10  }
0x35: {  	s10 =	sld [smem:$0x3FB9];
	_ =	sdelay $0x3  }
0x36: {  	p1 =	seq.s32 s10, $0x1;
	s10 =	sld [smem:$0x3FBA];
	_ =	sdelay $0x3  }
0x37: {  	[smem:$0x3FBA] =	sst s10  }
0x38: {  	s10 =	sld [smem:$0x3FBB]  }
0x39: {  	_ = 	snop;
	(pc) =	sbr.ind lr, $3  }
0x3a: {  	_ = 	snop  }
0x3b: {  	_ = 	snop  }
0x3c: {  	p2 =	seq.s32 s10, $0x1;
	s10 =	sld [smem:$0x3FBA]  }
0x3d: {  	_ =	shalt  }
0x3e: {  	_ =	shalt  }
0x3f: {  	_ =	shalt  }
0x40: {  	_ =	shalt  }
0x41: {  	_ =	shalt  }
0x42: {  	_ =	shalt  }
0x43: {  	_ =	shalt  }
0x44: {  	_ =	shalt  }
0x45: {  	_ =	shalt  }
0x46: {  	_ =	shalt  }
0x47: {  	_ =	shalt  }
0x48: {  	_ =	shalt  }
0x49: {  	_ =	shalt  }
0x4a: {  	_ =	shalt  }
0x4b: {  	_ =	shalt  }
0x4c: {  	_ =	shalt  }
0x4d: {  	_ =	shalt  }
0x4e: {  	_ =	shalt  }
0x4f: {  	_ =	shalt  }
0x50: {  	_ =	shalt  }
0x51: {  	_ =	shalt  }
0x52: {  	_ =	shalt  }
0x53: {  	_ =	shalt  }
0x54: {  	_ =	shalt  }
0x55: {  	_ =	shalt  }
0x56: {  	_ =	shalt  }
0x57: {  	_ =	shalt  }
0x58: {  	_ =	shalt  }
0x59: {  	_ =	shalt  }
0x5a: {  	_ =	shalt  }
0x5b: {  	_ =	shalt  }
0x5c: {  	_ =	shalt  }
0x5d: {  	_ =	shalt  }
0x5e: {  	_ =	shalt  }
0x5f: {  	_ =	shalt  }
0x60: {  	_ =	shalt  }
0x61: {  	_ =	shalt  }
0x62: {  	_ =	shalt  }
0x63: {  	_ =	shalt  }
0x64: {  	_ =	shalt  }
0x65: {  	_ =	shalt  }
0x66: {  	_ =	shalt  }
0x67: {  	_ =	shalt  }
0x68: {  	_ =	shalt  }
0x69: {  	_ =	shalt  }
0x6a: {  	_ =	shalt  }
0x6b: {  	_ =	shalt  }
0x6c: {  	_ =	shalt  }
0x6d: {  	_ =	shalt  }
0x6e: {  	_ =	shalt  }
0x6f: {  	_ =	shalt  }
0x70: {  	_ =	shalt  }
0x71: {  	_ =	shalt  }
0x72: {  	_ =	shalt  }
0x73: {  	_ =	shalt  }
0x74: {  	_ =	shalt  }
0x75: {  	_ =	shalt  }
0x76: {  	_ =	shalt  }
0x77: {  	_ =	shalt  }
0x78: {  	_ =	shalt  }
0x79: {  	_ =	shalt  }
0x7a: {  	_ =	shalt  }
0x7b: {  	_ =	shalt  }
0x7c: {  	_ =	shalt  }
0x7d: {  	_ =	shalt  }
0x7e: {  	_ =	shalt  }
0x7f: {  	_ =	shalt  }
0x80: {  	_ =	shalt  }
0x81: {  	_ =	shalt  }
0x82: {  	_ =	shalt  }
0x83: {  	_ =	shalt  }
0x84: {  	_ =	shalt  }
0x85: {  	_ =	shalt  }
0x86: {  	_ =	shalt  }
0x87: {  	_ =	shalt  }
.Lfunc_end0:
.L_simem_size_0:
called_computation_lowered:
.L_overlay_start_0:
0x88: {  	s2 =	sld [smem:$0x3FD9]  }
0x89: {  	s3 =	sld [smem:$0x3FFE];
	_ =	sdelay $0x1  }
0x8a: {  	s1 =	srdreg.scid  }
0x8b: {  	s0 =	sand.u32 $0x1, s1  }
0x8c: {  	s17 =	sshll.u32 s0, $0xA;
	s2 =	sadd.s32 s3, s2  }
0x8d: {  	s2 =	sadd.s32 s2, s17  }
0x8e: {  	[smem:$0x3FC6] =	sst s2  }
0x8f: {  	_ = 	snop  }
0x90: {  	s2 =	sld [smem:$0x3FC8]  }
0x91: {  	s18 =	sld [smem:$0x3FD0];
	(tm) =	ssettm $0x1  }
0x92: {  	s4 =	sld [smem:$0x3FFB];
	_ =	sdelay $0x3  }
0x93: {  	_ =	strace s4  }
0x94: {  	s4 =	sld [smem:$0x3FFC];
	_ =	sdelay $0x3  }
0x95: {  	_ =	strace s4  }
0x96: {  	s4 =	sld [smem:$0x3FFD];
	_ =	sdelay $0x3  }
0x97: {  	_ =	strace s4  }
0x98: {  	_ =	strace $0x8FFFFFFF  }
0x99: {  	s19 =	sld [smem:$0x3FDB];
	_ =	sdelay $0x1  }
0x9a: {  	s5 =	simm.s32 $_scs_section_size  }
0x9b: {  	s6 =	simm.s32 $_size__tile_overlayer_lowered;
	s7 =	simm.s32 $_tile_overlayer_lowered  }
0x9c: {  	s22 =	simm.s32 $0x1BFF;
	s21 =	sshll.u32 s7, $0x1;
	s4 =	sadd.s32 s5, s19  }
0x9d: {  	s8 =	simm.s32 $0x0;
	s20 =	sshll.u32 s6, $0x1;
	s6 =	sadd.s32 s21, s4  }
0x9e: {  	[timem:s8], [sflag:s22] =	dma.local [hbm:s6], s20  }
0x9f: {  	_ =	swait.ge [sflag:s22], s20  }
0xa0: {  	s5 =	ssub.s32 $0x0, s20;
	[sflag:s22] =	ssyncset.done $0x0  }
0xa1: {  	[sflag:s22] =	ssyncadd.s32 s5;
	_ =	sdelay $0x1  }
0xa2: {  	s23 =	simm.s32 $0x1B8B  }
0xa3: {  	_ =	swait.ge [sflag:s23], $0x1  }
0xa4: {  	[sflag:s23] =	ssyncset.done $0x0  }
0xa5: {  	s25 =	simm.s32 $0x1B8E;
	s24 =	sld [smem:$0x3FFE];
	[sflag:s23] =	ssyncadd.s32 $0xFFFFFFFF  }
0xa6: {  	s26 =	simm.s32 $execute0_lowered;
	[smem:$0x3FD2] =	sst s25  }
0xa7: {  	s6 =	sshll.u32 s26, $0x1;
	_ =	strace $0x80000046;
	[dreg:$0x1] =	wrdreg $0xFFFFFFFF  }
0xa8: {  	s28 =	simm.s32 $_size_execute0_lowered;
	s4 =	sadd.s32 s4, s6;
	[dreg:$0x0] =	wrdreg $0x0  }
0xa9: {  	s6 =	sshll.u32 s28, $0x1;
	[dreg:$0x2] =	wrdreg s4  }
0xaa: {  	[dreg:$0x3] =	wrdreg s6  }
0xab: {  	[dreg:$0x4] =	wrdreg $0xC0  }
0xac: {  	_ =	task [dreg:s8], $0x5FFFF  }
0xad: {  	[dreg:$0x1] =	wrdreg $0xFFFFFFFF  }
0xae: {  	[dreg:$0x0] =	wrdreg $0x60  }
0xaf: {  	[dreg:$0x2] =	wrdreg s2  }
0xb0: {  	[dreg:$0x3] =	wrdreg s24  }
0xb1: {  	[dreg:$0x4] =	wrdreg s18  }
0xb2: {  	[dreg:$0x5] =	wrdreg $0x164000  }
0xb3: {  	[dreg:$0x6] =	wrdreg $0x9  }
0xb4: {  	_ =	task.clear_ibuf [dreg:s8], $0x7FFFF;
	_ =	strace $0x90000046  }
0xb5: {  	s29 =	simm.s32 $0x9;
	_ =	strace $0x80000048  }
0xb6: {  	_ =	swait.ge [sflag:s29], $0x1  }
0xb7: {  	[sflag:s29] =	ssyncadd.s32 $0xFFFFFFFF  }
0xb8: {  	_ =	strace $0x90000048  }
0xb9: {  	_ =	sfence  }
0xba: {  	s30 =	sld [smem:$0x0];
	_ =	sdelay $0x2  }
0xbb: {  	s31 =	sshll.u32 s1, $0xD;
	s1 =	sshrl.u32 s1, $0x2  }
0xbc: {  	s3 =	sand.u32 $0x4000, s31;
	s1 =	sadd.s32 s1, s30  }
0xbd: {  	s0 =	sor.u32 s3, s0;
	s1 =	sshll.u32 s1, $0x11  }
0xbe: {  	s0 =	sor.u32 s1, s0  }
0xbf: {  	s0 =	sadd.s32 $0x8F2B, s0  }
0xc0: {  	[sflag:s0] =	ssyncadd.remote.s32 $0x1  }
0xc1: {  	_ =	sfence.sel $0xFFFF  }
0xc2: {  	[dreg:$0x0] =	wrdreg $0xFFFFFFFF;
	(pc) =	sbr.abs _section_cstart, $3  }
0xc3: {  	[dreg:$0x1] =	wrdreg $0xFFFFFFFF  }
0xc4: {  	_ =	task.clear_ibuf [dreg:s8], $0x2FFFF;
	_ =	strace $0x9FFFFFFF  }
0xc5: {  	(tm) =	ssettm $0x7FFFFFFF  }
tec
execute0_lowered:
.L_overlay_start_1:
0x0: {  	(tag) =	ssettag $0x1  }
0x1: {  	s1 =	rddreg [dreg:$0x0]  }
0x2: {  	s2 =	rddreg [dreg:$0x1]  }
0x3: {  	s3 =	srdreg.scid;
	s7 =	rddreg [dreg:$0x2]  }
0x4: {  	s0 =	stileid.u32;
	s5 =	rddreg [dreg:$0x3];
	s11 =	simm.s32 $0xA400  }
0x5: {  	s13 =	simm.s32 $0xE400;
	s15 =	simm.s32 $0x12400;
	s16 =	simm.s32 $0x1  }
0x6: {  	s19 =	simm.s32 $0x2;
	s22 =	simm.s32 $0x3;
	s6 =	sand.u32 $0x1, s3  }
0x7: {  	s23 =	sshll.u32 s0, $0x1;
	s3 =	simm.s32 $0x0;
	s9 =	smul.u32 $0x640000, s0  }
0x8: {  	s25 =	sshll.u32 s0, $0xF;
	s26 =	smul.u32 $0xC8000, s0;
	s31 =	sshll.u32 s0, $0x6  }
0x9: {  	s4 =	sor.u32 s6, s23;
	[smem:$0x7FF] =	sst s3;
	s10 =	smul.u32 $0x320000, s6  }
0xa: {  	s8 =	ssub.s32 $0x2, s6;
	s5 =	sadd.s32 s25, s5;
	s29 =	smul.u32 $0x64000, s6  }
0xb: {  	s17 =	sor.u32 $0x1C05, s31;
	s20 =	sor.u32 $0x1C06, s31;
	s23 =	simm.s32 $0x5  }
0xc: {  	s25 =	simm.s32 $0x6;
	s4 =	smul.u32 $0x6400, s4;
	s24 =	sshrl.u32 s8, $0x1  }
0xd: {  	_ =	strace $0x80000047;
	s6 =	sadd.s32 $0x4000, s5;
	s18 =	sshrl.u32 s5, $0x3  }
0xe: {  	s8 =	ssub.s32 s8, s24;
	s9 =	sadd.s32 s10, s9;
	s10 =	sadd.s32 s26, s7  }
0xf: {  	s21 =	sshrl.u32 s6, $0x3;
	s24 =	simm.s32 $0x4;
	s26 =	simm.s32 $0x0  }
0x10: {  	s4 =	sshrl.u32 s4, $0x3;
	s28 =	sshrl.u32 s9, $0x3;
	s30 =	sadd.s32 s29, s10  }
0x11: {  	s9 =	simm.s32 $0x80;
	s10 =	simm.s32 $0x6400;
	s2 =	sadd.s32 s4, s2  }
0x12: {  	[dreg:$0x6] =	wrdreg s30;
	s4 =	sadd.s32 $0x400, s2;
	s2 =	sadd.s32 s28, s7  }
0x13: {  	s7 =	smax.u32 s8, $0x1;
	s8 =	simm.s32 $0x7;
	[dreg:$0x5] =	wrdreg s2  }
.LBB2_1:
0x14: {  	[tilespmem:s3], [sflag:$0x7] =	stream.linear.gather [hbm4b:s4+s3], $0x6400, $0x38;
	[tilespmem:$0x1E400] =	vst v63  }
0x15: {  	_ =	swait.ge [sflag:s8], $0x6400  }
0x16: {  	[sflag:s8] =	ssyncset.done $0x0  }
0x17: {  	[sflag:s8] =	ssyncadd.s32 $0xFFFF9C00  }
0x18: {  	[tilespmem:s10], [sflag:$0x1] =	stream.indirect.gather [hbm4b:s1+s9], $0x80, s3, s9, $0xb8;
	[tilespmem:$0x1E400] =	vst v63  }
0x19: {  	_ = 	snop  }
0x1a: {  	[tilespmem:s11], [sflag:$0x2] =	stream.indirect.gather [hbm4b:s1+s9], $0x80, s9, s9, $0xb8;
	[tilespmem:$0x1E400] =	vst v63  }
0x1b: {  	s0 =	simm.s32 $0x100  }
0x1c: {  	[tilespmem:s13], [sflag:$0x3] =	stream.indirect.gather [hbm4b:s1+s9], $0x80, s0, s9, $0xb8;
	[tilespmem:$0x1E400] =	vst v63  }
0x1d: {  	s14 =	simm.s32 $0x180  }
0x1e: {  	[tilespmem:s15], [sflag:$0x4] =	stream.indirect.gather [hbm4b:s1+s9], $0x80, s14, s9, $0xb8;
	[tilespmem:$0x1E400] =	vst v63  }
0x1f: {  	_ =	swait.ge [sflag:s16], $0x4000  }
0x20: {  	p1 =	por $0x1, $0x1;
	[sflag:s16] =	ssyncset.done $0x0  }
0x21: {  	s2 =	simm.s32 @!p1 $0x5;
	[sflag:s16] =	ssyncadd.s32 $0xFFFFC000  }
0x22: {  	_ =	swait.ge @!p1 [sflag:s2], $0x800  }
0x23: {  	[sflag:s2] =	ssyncset.done @!p1 $0x0  }
0x24: {  	[sflag:s2] =	ssyncadd.s32 @!p1 $0xFFFFF800  }
0x25: {  	[spmem:s5] =	stream.linear.scatter [tilespmem:s10], [sflag:$0x7], $0x4000, $0x38;
	[tilespmem:$0x1E400] =	vst v63  }
0x26: {  	p0 =	por $0x0, $0x0;
	_ =	swait.ge [sflag:s8], $0x4000  }
0x27: {  	s29 =	simm.s32 @!p0 $0x80;
	s30 =	simm.s32 @!p0 $0x6400;
	[sflag:s8] =	ssyncset.done $0x0  }
0x28: {  	s2 =	simm.s32 $0x200;
	s28 =	rddreg [dreg:$0x5];
	[sflag:s8] =	ssyncadd.s32 $0xFFFFC000  }
0x29: {  	[tilespmem:s30], [sflag:$0x1] =	stream.indirect.gather @!p0 [hbm4b:s1+s29], $0x80, s2, s29, $0xb8;
	[tilespmem:$0x1E400] =	vst v63  }
0x2a: {  	s30 =	sadd.s32 $0x0, s28  }
0x2b: {  	[hbm:s30], [sflag:s17] =	dma.local [spmem:s18], $0x800  }
0x2c: {  	_ =	swait.ge [sflag:s19], $0x4000  }
0x2d: {  	[sflag:s19] =	ssyncset.done $0x0  }
0x2e: {  	s2 =	simm.s32 @!p1 $0x6;
	[sflag:s19] =	ssyncadd.s32 $0xFFFFC000  }
0x2f: {  	_ =	swait.ge @!p1 [sflag:s2], $0x800  }
0x30: {  	[sflag:s2] =	ssyncset.done @!p1 $0x0  }
0x31: {  	[sflag:s2] =	ssyncadd.s32 @!p1 $0xFFFFF800  }
0x32: {  	[spmem:s6] =	stream.linear.scatter [tilespmem:s11], [sflag:$0x7], $0x4000, $0x38;
	[tilespmem:$0x1E400] =	vst v63  }
0x33: {  	_ =	swait.ge [sflag:s8], $0x4000  }
0x34: {  	s28 =	simm.s32 @!p0 $0x280;
	[sflag:s8] =	ssyncset.done $0x0;
	s31 =	rddreg [dreg:$0x6]  }
0x35: {  	s30 =	simm.s32 @!p0 $0xA400;
	[sflag:s8] =	ssyncadd.s32 $0xFFFFC000;
	s2 =	sadd.s32 $0x0, s31  }
0x36: {  	[tilespmem:s30], [sflag:$0x2] =	stream.indirect.gather @!p0 [hbm4b:s1+s29], $0x80, s28, s29, $0xb8;
	[tilespmem:$0x1E400] =	vst v63  }
0x37: {  	s28 =	sadd.s32 $0x800, s2  }
0x38: {  	[hbm:s28], [sflag:s20] =	dma.local [spmem:s21], $0x800  }
0x39: {  	_ =	swait.ge [sflag:s22], $0x4000  }
0x3a: {  	[sflag:s22] =	ssyncset.done $0x0  }
0x3b: {  	[sflag:s22] =	ssyncadd.s32 $0xFFFFC000  }
0x3c: {  	_ =	swait.ge [sflag:s23], $0x800  }
0x3d: {  	[sflag:s23] =	ssyncset.done $0x0  }
0x3e: {  	[sflag:s23] =	ssyncadd.s32 $0xFFFFF800  }
0x3f: {  	[spmem:s5] =	stream.linear.scatter [tilespmem:s13], [sflag:$0x7], $0x4000, $0x38;
	[tilespmem:$0x1E400] =	vst v63  }
0x40: {  	_ =	swait.ge [sflag:s8], $0x4000  }
0x41: {  	[sflag:s8] =	ssyncset.done $0x0  }
0x42: {  	s30 =	simm.s32 @!p0 $0x300;
	s28 =	simm.s32 @!p0 $0xE400;
	[sflag:s8] =	ssyncadd.s32 $0xFFFFC000  }
0x43: {  	[tilespmem:s28], [sflag:$0x3] =	stream.indirect.gather @!p0 [hbm4b:s1+s29], $0x80, s30, s29, $0xb8;
	[tilespmem:$0x1E400] =	vst v63  }
0x44: {  	s28 =	sadd.s32 $0x1000, s2  }
0x45: {  	[hbm:s28], [sflag:s17] =	dma.local [spmem:s18], $0x800  }
0x46: {  	_ =	swait.ge [sflag:s24], $0x4000  }
0x47: {  	[sflag:s24] =	ssyncset.done $0x0  }
0x48: {  	[sflag:s24] =	ssyncadd.s32 $0xFFFFC000  }
0x49: {  	_ =	swait.ge [sflag:s25], $0x800  }
0x4a: {  	[sflag:s25] =	ssyncset.done $0x0  }
0x4b: {  	[sflag:s25] =	ssyncadd.s32 $0xFFFFF800  }
0x4c: {  	[spmem:s6] =	stream.linear.scatter [tilespmem:s15], [sflag:$0x7], $0x4000, $0x38;
	[tilespmem:$0x1E400] =	vst v63  }
0x4d: {  	_ =	swait.ge [sflag:s8], $0x4000  }
0x4e: {  	[sflag:s8] =	ssyncset.done $0x0  }
0x4f: {  	s30 =	simm.s32 @!p0 $0x380;
	s28 =	simm.s32 @!p0 $0x12400;
	[sflag:s8] =	ssyncadd.s32 $0xFFFFC000  }
0x50: {  	[tilespmem:s28], [sflag:$0x4] =	stream.indirect.gather @!p0 [hbm4b:s1+s29], $0x80, s30, s29, $0xb8;
	[tilespmem:$0x1E400] =	vst v63  }
0x51: {  	s2 =	sadd.s32 $0x1800, s2;
	s28 =	simm.s32 $0x2000;
	s29 =	simm.s32 $0x400  }
.LBB2_2:
0x52: {  	[hbm:s2], [sflag:s20] =	dma.local [spmem:s21], $0x800  }
0x53: {  	s2 =	smov.u32 s28;
	_ =	swait.ge [sflag:s16], $0x4000  }
0x54: {  	p2 =	seq.s32 s2, $0x0;
	[sflag:s16] =	ssyncset.done $0x0  }
0x55: {  	s31 =	simm.s32 @!p2 $0x5;
	[sflag:s16] =	ssyncadd.s32 $0xFFFFC000  }
0x56: {  	_ =	swait.ge @!p2 [sflag:s31], $0x800  }
0x57: {  	[sflag:s31] =	ssyncset.done @!p2 $0x0  }
0x58: {  	[sflag:s31] =	ssyncadd.s32 @!p2 $0xFFFFF800  }
0x59: {  	[spmem:s5] =	stream.linear.scatter [tilespmem:s10], [sflag:$0x7], $0x4000, $0x38;
	[tilespmem:$0x1E400] =	vst v63  }
0x5a: {  	p1 =	seq.s32 s2, $0x62000;
	_ =	swait.ge [sflag:s8], $0x4000  }
0x5b: {  	s12 =	simm.s32 @!p1 $0x6400;
	[sflag:s8] =	ssyncset.done $0x0;
	s0 =	rddreg [dreg:$0x5]  }
0x5c: {  	s31 =	simm.s32 @!p1 $0x80;
	[sflag:s8] =	ssyncadd.s32 $0xFFFFC000;
	s0 =	sadd.s32 s2, s0  }
0x5d: {  	[tilespmem:s12], [sflag:$0x1] =	stream.indirect.gather @!p1 [hbm4b:s1+s31], $0x80, s29, s31, $0xb8;
	[tilespmem:$0x1E400] =	vst v63  }
0x5e: {  	[hbm:s0], [sflag:s17] =	dma.local [spmem:s18], $0x800  }
0x5f: {  	_ =	swait.ge [sflag:s19], $0x4000  }
0x60: {  	[sflag:s19] =	ssyncset.done $0x0  }
0x61: {  	s0 =	simm.s32 @!p2 $0x6;
	[sflag:s19] =	ssyncadd.s32 $0xFFFFC000  }
0x62: {  	_ =	swait.ge @!p2 [sflag:s0], $0x800  }
0x63: {  	[sflag:s0] =	ssyncset.done @!p2 $0x0  }
0x64: {  	[sflag:s0] =	ssyncadd.s32 @!p2 $0xFFFFF800  }
0x65: {  	[spmem:s6] =	stream.linear.scatter [tilespmem:s11], [sflag:$0x7], $0x4000, $0x38;
	[tilespmem:$0x1E400] =	vst v63  }
0x66: {  	_ =	swait.ge [sflag:s8], $0x4000  }
0x67: {  	s14 =	simm.s32 @!p1 $0xA400;
	[sflag:s8] =	ssyncset.done $0x0;
	s0 =	rddreg [dreg:$0x6]  }
0x68: {  	s12 =	sadd.s32 @!p1 $0x80, s29;
	[sflag:s8] =	ssyncadd.s32 $0xFFFFC000;
	s0 =	sadd.s32 s2, s0  }
0x69: {  	[tilespmem:s14], [sflag:$0x2] =	stream.indirect.gather @!p1 [hbm4b:s1+s31], $0x80, s12, s31, $0xb8;
	[tilespmem:$0x1E400] =	vst v63  }
0x6a: {  	s2 =	sadd.s32 $0x800, s0  }
0x6b: {  	[hbm:s2], [sflag:s20] =	dma.local [spmem:s21], $0x800  }
0x6c: {  	_ =	swait.ge [sflag:s22], $0x4000  }
0x6d: {  	[sflag:s22] =	ssyncset.done $0x0  }
0x6e: {  	[sflag:s22] =	ssyncadd.s32 $0xFFFFC000  }
0x6f: {  	_ =	swait.ge [sflag:s23], $0x800  }
0x70: {  	[sflag:s23] =	ssyncset.done $0x0  }
0x71: {  	[sflag:s23] =	ssyncadd.s32 $0xFFFFF800  }
0x72: {  	[spmem:s5] =	stream.linear.scatter [tilespmem:s13], [sflag:$0x7], $0x4000, $0x38;
	[tilespmem:$0x1E400] =	vst v63  }
0x73: {  	_ =	swait.ge [sflag:s8], $0x4000  }
0x74: {  	s12 =	sadd.s32 @!p1 $0x100, s29;
	[sflag:s8] =	ssyncset.done $0x0  }
0x75: {  	s14 =	sadd.s32 $0x1000, s0;
	s2 =	simm.s32 @!p1 $0xE400;
	[sflag:s8] =	ssyncadd.s32 $0xFFFFC000  }
0x76: {  	[tilespmem:s2], [sflag:$0x3] =	stream.indirect.gather @!p1 [hbm4b:s1+s31], $0x80, s12, s31, $0xb8;
	[tilespmem:$0x1E400] =	vst v63  }
0x77: {  	[hbm:s14], [sflag:s17] =	dma.local [spmem:s18], $0x800  }
0x78: {  	_ =	swait.ge [sflag:s24], $0x4000  }
0x79: {  	[sflag:s24] =	ssyncset.done $0x0  }
0x7a: {  	[sflag:s24] =	ssyncadd.s32 $0xFFFFC000  }
0x7b: {  	_ =	swait.ge [sflag:s25], $0x800  }
0x7c: {  	s28 =	sadd.s32 $0x2000, s28;
	[sflag:s25] =	ssyncset.done $0x0  }
0x7d: {  	p0 =	sne.s32 s28, $0x64000;
	[sflag:s25] =	ssyncadd.s32 $0xFFFFF800  }
0x7e: {  	[spmem:s6] =	stream.linear.scatter [tilespmem:s15], [sflag:$0x7], $0x4000, $0x38;
	[tilespmem:$0x1E400] =	vst v63  }
.Ltmp0:
0x7f: {  	_ = 	snop;
	(pc) =	sbr.rel @p0 .LBB2_2-.Ltmp0, $4  }
0x80: {  	s30 =	smov.u32 s29;
	_ =	swait.ge [sflag:s8], $0x4000  }
0x81: {  	s29 =	sadd.s32 $0x200, s29;
	s12 =	simm.s32 @!p1 $0x12400;
	[sflag:s8] =	ssyncset.done $0x0  }
0x82: {  	s2 =	sadd.s32 $0x1800, s0;
	s14 =	sadd.s32 @!p1 $0x180, s30;
	[sflag:s8] =	ssyncadd.s32 $0xFFFFC000  }
0x83: {  	[tilespmem:s12], [sflag:$0x4] =	stream.indirect.gather @!p1 [hbm4b:s1+s31], $0x80, s14, s31, $0xb8;
	[tilespmem:$0x1E400] =	vst v63  }
0x84: {  	[hbm:s2], [sflag:s20] =	dma.local [spmem:s21], $0x800  }
0x85: {  	s26 =	sadd.s32 $0x1, s26  }
0x86: {  	_ =	swait.ge [sflag:s23], $0x800;
	p0 =	sne.s32 s26, s7  }
.Ltmp1:
0x87: {  	[sflag:s23] =	ssyncset.done $0x0;
	(pc) =	sbr.rel @p0 .LBB2_1-.Ltmp1, $4  }
0x88: {  	[sflag:s23] =	ssyncadd.s32 $0xFFFFF800  }
0x89: {  	_ =	swait.ge [sflag:s25], $0x800  }
0x8a: {  	[sflag:s25] =	ssyncset.done $0x0  }
0x8b: {  	[sflag:s25] =	ssyncadd.s32 $0xFFFFF800  }
0x8c: {  	_ =	sfence.sel $0x180000  }
0x8d: {  	[bflag:$0x0] =	sbarrier.arrive $0xFFFF  }
0x8e: {  	_ =	strace $0x90000047  }
0x8f: {  	s0 =	stileid.u32;
	[bflag:$0x2] =	sbarrier.arrive $0xFFFF  }
0x90: {  	p0 =	sne.s32 s0, $0x0;
	s0 =	rddreg [dreg:$0x4]  }
0x91: {  	s0 =	sadd.s32 @!p0 $0x100000, s0  }
0x92: {  	[sflag:s0] =	ssyncadd.tile.s32 @!p0 $0x1;
	_ =	shalt  }
.Lfunc_end2:
_tile_overlayer_lowered:
.L_overlay_start_2:
0x93: {  	(tag) =	ssettag $0x2  }
0x94: {  	s0 =	rddreg [dreg:$0x0];
	s2 =	stileid.u32  }
0x95: {  	s1 =	rddreg [dreg:$0x1];
	p0 =	sne.s32 s2, $0x0  }
0x96: {  	s3 =	rddreg [dreg:$0x2];
	[bflag:$0x3] =	sbarrier.arrive $0xFFFF;
	s2 =	simm.s32 @!p0 $0x1C07  }
0x97: {  	[timem:s3], [sflag:s2] =	dma.local @!p0 [hbm:s0], s1  }
0x98: {  	s0 =	simm.s32 @!p0 $0x7  }
0x99: {  	_ =	swait.ge @!p0 [sflag:s0], s1  }
0x9a: {  	s1 =	ssub.s32 @!p0 $0x0, s1;
	[sflag:s0] =	ssyncset.done @!p0 $0x0  }
0x9b: {  	[sflag:s0] =	ssyncadd.s32 @!p0 s1  }
0x9c: {  	[bflag:$0x3] =	sbarrier.arrive $0xFFFF  }
0x9d: {  	_ =	shalt  }

</sc_bundles>
